<compile_context>
chip_gen: v7x
topology: tpu7x:2x2x1
jax: 0.10.2.dev20260603
libtpu: 0.0.44.dev20260713+nightly
codegen_flags: <defaults>
</compile_context>

<pallas_src>
import functools

import jax
import jax.numpy as jnp
from jax import lax
from jax.experimental import pallas as pl
from jax.experimental.pallas import tpu as pltpu
from jax.experimental.pallas import tpu_sc as plsc

TOKENS = 32768
D = 1024
B = 16
LANES = 16
NCHUNK = 4
CW = D // NCHUNK
VECS = CW // LANES


def _pool_body(hs_hbm, lens_hbm, out_hbm, lens_v, shift_i, shift_f, row_v,
               lens_sem, in_sems, out_sem):
    row = lax.axis_index("s")

    lens_cp = pltpu.make_async_copy(lens_hbm, lens_v, lens_sem)
    lens_cp.start()
    zero_i = jnp.zeros((LANES,), jnp.int32)
    shift_i[pl.ds(0, LANES)] = zero_i
    shift_i[pl.ds(2 * LANES, LANES)] = zero_i
    shift_f[pl.ds(LANES, LANES)] = jnp.zeros((LANES,), jnp.float32)
    lens_cp.wait()

    cur = lens_v[...]
    for k in (1, 2, 4, 8):
        shift_i[pl.ds(LANES, LANES)] = cur
        cur = cur + shift_i[pl.ds(LANES - k, LANES)]
    idx = cur - 1
    idx = jnp.where(idx < 0, idx + TOKENS, idx)
    shift_i[pl.ds(LANES, LANES)] = idx
    ix = shift_i[pl.ds(LANES + row, LANES)][0]

    in_cps = []
    for c in range(NCHUNK):
        cp = pltpu.make_async_copy(
            hs_hbm.at[pl.ds(ix, 1), pl.ds(c * CW, CW)],
            row_v.at[pl.ds(0, 1), pl.ds(c * CW, CW)],
            in_sems[c],
        )
        cp.start()
        in_cps.append(cp)

    accs = [jnp.zeros((LANES,), jnp.float32) for _ in range(4)]
    for c in range(NCHUNK):
        in_cps[c].wait()
        for j in range(VECS):
            v = row_v[0, pl.ds(c * CW + j * LANES, LANES)]
            accs[j % 4] = accs[j % 4] + v * v
    acc = (accs[0] + accs[1]) + (accs[2] + accs[3])

    for k in (8, 4, 2, 1):
        shift_f[pl.ds(0, LANES)] = acc
        acc = acc + shift_f[pl.ds(k, LANES)]
    t = jnp.maximum(acc[0], jnp.float32(1e-24))

    bits = lax.bitcast_convert_type(t, jnp.int32)
    ys = lax.bitcast_convert_type(jnp.int32(0x5F3759DF) - (bits >> 1), jnp.float32)
    for _unused in range(3):
        ys = ys * (jnp.float32(1.5) - jnp.float32(0.5) * t * ys * ys)
    y = jnp.full((LANES,), ys, jnp.float32)

    out_cps = []
    for c in range(NCHUNK):
        for j in range(VECS):
            sl = pl.ds(c * CW + j * LANES, LANES)
            row_v[0, sl] = row_v[0, sl] * y
        cp = pltpu.make_async_copy(
            row_v.at[pl.ds(0, 1), pl.ds(c * CW, CW)],
            out_hbm.at[pl.ds(row, 1), pl.ds(c * CW, CW)],
            out_sem,
        )
        cp.start()
        out_cps.append(cp)
    for cp in out_cps:
        cp.wait()


def kernel(hidden_states, prompt_lens):
    mesh = plsc.VectorSubcoreMesh(core_axis_name="c", subcore_axis_name="s", num_cores=1)
    fn = functools.partial(
        pl.kernel,
        out_type=jax.ShapeDtypeStruct((B, D), jnp.float32),
        mesh=mesh,
        scratch_types=[
            pltpu.VMEM((B,), jnp.int32),
            pltpu.VMEM((3 * LANES,), jnp.int32),
            pltpu.VMEM((2 * LANES,), jnp.float32),
            pltpu.VMEM((1, D), jnp.float32),
            pltpu.SemaphoreType.DMA,
            [pltpu.SemaphoreType.DMA for _ in range(NCHUNK)],
            pltpu.SemaphoreType.DMA,
        ],
    )(_pool_body)
    return fn(hidden_states, prompt_lens)

# --- scband reference (transcript-rebuilt; emitter-appended) ---
"""Pipeline reference for scband-pooler-57690000720681 (READ-ONLY COPY).

The authoritative reference and input builder live on the scoring server;
editing this copy changes nothing except your own understanding.
"""

import jax, jax.numpy as jnp
import numpy as np

TOTAL_TOKENS = 32768
D_MODEL = 1024
BATCH = 16
MAX_LEN = 2048

def setup_inputs(seed: int = 0) -> dict:
    key = jax.random.key(seed)
    k1, k2 = jax.random.split(key)
    hidden_states = jax.random.normal(k1, (TOTAL_TOKENS, D_MODEL), dtype=jnp.float32)
    prompt_lens = jax.random.randint(k2, (BATCH,), 0, MAX_LEN, dtype=jnp.int32)
    return {"hidden_states": hidden_states, "prompt_lens": prompt_lens}

def reference(hidden_states, prompt_lens):
    # PoolingType.LAST: gather the last token of each prompt segment
    last_token_flat_indices = jnp.cumsum(prompt_lens) - 1
    pooled_data = jnp.take(hidden_states, last_token_flat_indices, axis=0)
    # normalize=True -> F.normalize(pooled_data, p=2, dim=1)
    norm = jnp.linalg.norm(pooled_data, ord=2, axis=1, keepdims=True)
    pooled_data = pooled_data / jnp.maximum(norm, 1e-12)
    return pooled_data

if __name__ == "__main__":
    import jax
    _d = setup_inputs()
    print(jax.jit(kernel)(*tuple(_d.values())))

</pallas_src>

<mosaic_0001>
#map = affine_map<(d0, d1) -> (0, 0)>
#map1 = affine_map<(d0, d1) -> (0)>
module attributes {stable_mosaic.version = 14 : i64} {
  func.func @_pool_body(%arg0: i32, %arg1: i32, %arg2: memref<32768x1024xf32, #tpu.memory_space<hbm>>, %arg3: memref<16xi32, #tpu.memory_space<hbm>>, %arg4: memref<16x1024xf32, #tpu.memory_space<hbm>>, %arg5: memref<16xi32, #tpu.memory_space<vmem>>, %arg6: memref<48xi32, #tpu.memory_space<vmem>>, %arg7: memref<32xf32, #tpu.memory_space<vmem>>, %arg8: memref<1x1024xf32, #tpu.memory_space<vmem>>, %arg9: memref<!tpu.dma_semaphore, #tpu.memory_space<semaphore_mem>>, %arg10: memref<!tpu.dma_semaphore, #tpu.memory_space<semaphore_mem>>, %arg11: memref<!tpu.dma_semaphore, #tpu.memory_space<semaphore_mem>>, %arg12: memref<!tpu.dma_semaphore, #tpu.memory_space<semaphore_mem>>, %arg13: memref<!tpu.dma_semaphore, #tpu.memory_space<semaphore_mem>>, %arg14: memref<!tpu.dma_semaphore, #tpu.memory_space<semaphore_mem>>) attributes {dimension_semantics = [#tpu.dimension_semantics<core_parallel>, #tpu.dimension_semantics<subcore_parallel>], iteration_bounds = array<i64: 1, 16>, scalar_prefetch = 0 : i64, scratch_operands = 10 : i64, tpu.core_type = #tpu.core_type<sc_vector_subcore>, window_params = [{transform_indices = #map}, {transform_indices = #map1}, {transform_indices = #map}]} {
    tpu.enqueue_dma source(%arg3 : memref<16xi32, #tpu.memory_space<hbm>>) target(%arg5 : memref<16xi32, #tpu.memory_space<vmem>>) target_semaphore(%arg9 : memref<!tpu.dma_semaphore, #tpu.memory_space<semaphore_mem>>)
    %broadcast_in_dim3A = arith.constant 0 : i32
    %broadcast_in_dim3A_0 = vector.broadcast %broadcast_in_dim3A : i32 to vector<16xi32>
    %swap3A = arith.constant 0 : index
    %swap3A_1 = tpu.vector_load %arg6[%swap3A] {strides = array<i32>} : memref<48xi32, #tpu.memory_space<vmem>>, vector<16xi32>,
    %swap3A_2 = vector.shape_cast %swap3A_1 : vector<16xi32> to vector<16xi32>
    %swap3A_3 = vector.shape_cast %broadcast_in_dim3A_0 : vector<16xi32> to vector<16xi32>
    tpu.vector_store %arg6[%swap3A], %swap3A_3 {strides = array<i32>} : memref<48xi32, #tpu.memory_space<vmem>>, vector<16xi32>,
    %swap3A_4 = arith.constant 32 : index
    %swap3A_5 = tpu.vector_load %arg6[%swap3A_4] {strides = array<i32>} : memref<48xi32, #tpu.memory_space<vmem>>, vector<16xi32>,
    %swap3A_6 = vector.shape_cast %swap3A_5 : vector<16xi32> to vector<16xi32>
    %swap3A_7 = vector.shape_cast %broadcast_in_dim3A_0 : vector<16xi32> to vector<16xi32>
    tpu.vector_store %arg6[%swap3A_4], %swap3A_7 {strides = array<i32>} : memref<48xi32, #tpu.memory_space<vmem>>, vector<16xi32>,
    %broadcast_in_dim3A_8 = arith.constant 0.000000e+00 : f32
    %broadcast_in_dim3A_9 = vector.broadcast %broadcast_in_dim3A_8 : f32 to vector<16xf32>
    %swap3A_10 = arith.constant 16 : index
    %swap3A_11 = tpu.vector_load %arg7[%swap3A_10] {strides = array<i32>} : memref<32xf32, #tpu.memory_space<vmem>>, vector<16xf32>,
    %swap3A_12 = vector.shape_cast %swap3A_11 : vector<16xf32> to vector<16xf32>
    %swap3A_13 = vector.shape_cast %broadcast_in_dim3A_9 : vector<16xf32> to vector<16xf32>
    tpu.vector_store %arg7[%swap3A_10], %swap3A_13 {strides = array<i32>} : memref<32xf32, #tpu.memory_space<vmem>>, vector<16xf32>,
    tpu.wait_dma2 semaphore(%arg9 : memref<!tpu.dma_semaphore, #tpu.memory_space<semaphore_mem>>) src(%arg3 : memref<16xi32, #tpu.memory_space<hbm>>) dst(%arg5 : memref<16xi32, #tpu.memory_space<vmem>>)
    %get3A = arith.constant 0 : index
    %get3A_14 = tpu.vector_load %arg5[%get3A] {strides = array<i32>} : memref<16xi32, #tpu.memory_space<vmem>>, vector<16xi32>,
    %get3A_15 = vector.shape_cast %get3A_14 : vector<16xi32> to vector<16xi32>
    %swap3A_16 = arith.constant 16 : index
    %swap3A_17 = tpu.vector_load %arg6[%swap3A_16] {strides = array<i32>} : memref<48xi32, #tpu.memory_space<vmem>>, vector<16xi32>,
    %swap3A_18 = vector.shape_cast %swap3A_17 : vector<16xi32> to vector<16xi32>
    %swap3A_19 = vector.shape_cast %get3A_15 : vector<16xi32> to vector<16xi32>
    tpu.vector_store %arg6[%swap3A_16], %swap3A_19 {strides = array<i32>} : memref<48xi32, #tpu.memory_space<vmem>>, vector<16xi32>,
    %get3A_20 = arith.constant 15 : index
    %get3A_21 = tpu.vector_load %arg6[%get3A_20] {strides = array<i32>} : memref<48xi32, #tpu.memory_space<vmem>>, vector<16xi32>,
    %get3A_22 = vector.shape_cast %get3A_21 : vector<16xi32> to vector<16xi32>
    %add3A = arith.addi %get3A_15, %get3A_22 : vector<16xi32>
    %swap3A_23 = arith.constant 16 : index
    %swap3A_24 = tpu.vector_load %arg6[%swap3A_23] {strides = array<i32>} : memref<48xi32, #tpu.memory_space<vmem>>, vector<16xi32>,
    %swap3A_25 = vector.shape_cast %swap3A_24 : vector<16xi32> to vector<16xi32>
    %swap3A_26 = vector.shape_cast %add3A : vector<16xi32> to vector<16xi32>
    tpu.vector_store %arg6[%swap3A_23], %swap3A_26 {strides = array<i32>} : memref<48xi32, #tpu.memory_space<vmem>>, vector<16xi32>,
    %get3A_27 = arith.constant 14 : index
    %get3A_28 = tpu.vector_load %arg6[%get3A_27] {strides = array<i32>} : memref<48xi32, #tpu.memory_space<vmem>>, vector<16xi32>,
    %get3A_29 = vector.shape_cast %get3A_28 : vector<16xi32> to vector<16xi32>
    %add3A_30 = arith.addi %add3A, %get3A_29 : vector<16xi32>
    %swap3A_31 = arith.constant 16 : index
    %swap3A_32 = tpu.vector_load %arg6[%swap3A_31] {strides = array<i32>} : memref<48xi32, #tpu.memory_space<vmem>>, vector<16xi32>,
    %swap3A_33 = vector.shape_cast %swap3A_32 : vector<16xi32> to vector<16xi32>
    %swap3A_34 = vector.shape_cast %add3A_30 : vector<16xi32> to vector<16xi32>
    tpu.vector_store %arg6[%swap3A_31], %swap3A_34 {strides = array<i32>} : memref<48xi32, #tpu.memory_space<vmem>>, vector<16xi32>,
    %get3A_35 = arith.constant 12 : index
    %get3A_36 = tpu.vector_load %arg6[%get3A_35] {strides = array<i32>} : memref<48xi32, #tpu.memory_space<vmem>>, vector<16xi32>,
    %get3A_37 = vector.shape_cast %get3A_36 : vector<16xi32> to vector<16xi32>
    %add3A_38 = arith.addi %add3A_30, %get3A_37 : vector<16xi32>
    %swap3A_39 = arith.constant 16 : index
    %swap3A_40 = tpu.vector_load %arg6[%swap3A_39] {strides = array<i32>} : memref<48xi32, #tpu.memory_space<vmem>>, vector<16xi32>,
    %swap3A_41 = vector.shape_cast %swap3A_40 : vector<16xi32> to vector<16xi32>
    %swap3A_42 = vector.shape_cast %add3A_38 : vector<16xi32> to vector<16xi32>
    tpu.vector_store %arg6[%swap3A_39], %swap3A_42 {strides = array<i32>} : memref<48xi32, #tpu.memory_space<vmem>>, vector<16xi32>,
    %get3A_43 = arith.constant 8 : index
    %get3A_44 = tpu.vector_load %arg6[%get3A_43] {strides = array<i32>} : memref<48xi32, #tpu.memory_space<vmem>>, vector<16xi32>,
    %get3A_45 = vector.shape_cast %get3A_44 : vector<16xi32> to vector<16xi32>
    %add3A_46 = arith.addi %add3A_38, %get3A_45 : vector<16xi32>
    %sub3A = arith.constant 1 : i32
    %sub3A_47 = vector.broadcast %sub3A : i32 to vector<16xi32>
    %sub3A_48 = arith.subi %add3A_46, %sub3A_47 : vector<16xi32>
    %lt3A = arith.constant 0 : i32
    %lt3A_49 = vector.broadcast %lt3A : i32 to vector<16xi32>
    %lt3A_50 = arith.cmpi slt, %sub3A_48, %lt3A_49 : vector<16xi32>
    %add3A_51 = arith.constant 32768 : i32
    %add3A_52 = vector.broadcast %add3A_51 : i32 to vector<16xi32>
    %add3A_53 = arith.addi %sub3A_48, %add3A_52 : vector<16xi32>
    %select_n3A = arith.select %lt3A_50, %add3A_53, %sub3A_48 : vector<16xi1>, vector<16xi32>
    %swap3A_54 = arith.constant 16 : index
    %swap3A_55 = tpu.vector_load %arg6[%swap3A_54] {strides = array<i32>} : memref<48xi32, #tpu.memory_space<vmem>>, vector<16xi32>,
    %swap3A_56 = vector.shape_cast %swap3A_55 : vector<16xi32> to vector<16xi32>
    %swap3A_57 = vector.shape_cast %select_n3A : vector<16xi32> to vector<16xi32>
    tpu.vector_store %arg6[%swap3A_54], %swap3A_57 {strides = array<i32>} : memref<48xi32, #tpu.memory_space<vmem>>, vector<16xi32>,
    %add3A_58 = arith.constant 16 : i32
    %add3A_59 = arith.addi %add3A_58, %arg1 : i32
    %get3A_60 = arith.index_cast %add3A_59 : i32 to index
    %get3A_61 = tpu.vector_load %arg6[%get3A_60] {strides = array<i32>} : memref<48xi32, #tpu.memory_space<vmem>>, vector<16xi32>,
    %get3A_62 = vector.shape_cast %get3A_61 : vector<16xi32> to vector<16xi32>
    %slice3A = vector.extract_strided_slice %get3A_62 {offsets = [0], sizes = [1], strides = [1]} : vector<16xi32> to vector<1xi32>
    %squeeze3A = vector.extract %slice3A[0] : i32 from vector<1xi32>
    %dma_start3A = arith.constant 0 : i32
    %dma_start3A_63 = arith.constant 0 : i32
    %dma_start3A_64 = tpu.memref_slice %arg8[%dma_start3A, %dma_start3A_63] : memref<1x1024xf32, #tpu.memory_space<vmem>> -> memref<1x256xf32, #tpu.memory_space<vmem>>
    %dma_start3A_65 = arith.constant 0 : i32
    %dma_start3A_66 = tpu.memref_slice %arg2[%squeeze3A, %dma_start3A_65] : memref<32768x1024xf32, #tpu.memory_space<hbm>> -> memref<1x256xf32, #tpu.memory_space<hbm>>
    %dma_start3A_67 = arith.constant 0 : i32
    %dma_start3A_68 = arith.constant 0 : i32
    %dma_start3A_69 = tpu.memref_slice %arg8[%dma_start3A_67, %dma_start3A_68] : memref<1x1024xf32, #tpu.memory_space<vmem>> -> memref<1x256xf32, #tpu.memory_space<vmem>>
    %dma_start3A_70 = arith.constant 0 : i32
    %dma_start3A_71 = tpu.memref_slice %arg2[%squeeze3A, %dma_start3A_70] : memref<32768x1024xf32, #tpu.memory_space<hbm>> -> memref<1x256xf32, #tpu.memory_space<hbm>>
    tpu.enqueue_dma source(%dma_start3A_71 : memref<1x256xf32, #tpu.memory_space<hbm>>) target(%dma_start3A_69 : memref<1x256xf32, #tpu.memory_space<vmem>>) target_semaphore(%arg10 : memref<!tpu.dma_semaphore, #tpu.memory_space<semaphore_mem>>)
    %dma_start3A_72 = arith.constant 0 : i32
    %dma_start3A_73 = arith.constant 256 : i32
    %dma_start3A_74 = tpu.memref_slice %arg8[%dma_start3A_72, %dma_start3A_73] : memref<1x1024xf32, #tpu.memory_space<vmem>> -> memref<1x256xf32, #tpu.memory_space<vmem>>
    %dma_start3A_75 = arith.constant 256 : i32
    %dma_start3A_76 = tpu.memref_slice %arg2[%squeeze3A, %dma_start3A_75] : memref<32768x1024xf32, #tpu.memory_space<hbm>> -> memref<1x256xf32, #tpu.memory_space<hbm>>
    %dma_start3A_77 = arith.constant 0 : i32
    %dma_start3A_78 = arith.constant 256 : i32
    %dma_start3A_79 = tpu.memref_slice %arg8[%dma_start3A_77, %dma_start3A_78] : memref<1x1024xf32, #tpu.memory_space<vmem>> -> memref<1x256xf32, #tpu.memory_space<vmem>>
    %dma_start3A_80 = arith.constant 256 : i32
    %dma_start3A_81 = tpu.memref_slice %arg2[%squeeze3A, %dma_start3A_80] : memref<32768x1024xf32, #tpu.memory_space<hbm>> -> memref<1x256xf32, #tpu.memory_space<hbm>>
    tpu.enqueue_dma source(%dma_start3A_81 : memref<1x256xf32, #tpu.memory_space<hbm>>) target(%dma_start3A_79 : memref<1x256xf32, #tpu.memory_space<vmem>>) target_semaphore(%arg11 : memref<!tpu.dma_semaphore, #tpu.memory_space<semaphore_mem>>)
    %dma_start3A_82 = arith.constant 0 : i32
    %dma_start3A_83 = arith.constant 512 : i32
    %dma_start3A_84 = tpu.memref_slice %arg8[%dma_start3A_82, %dma_start3A_83] : memref<1x1024xf32, #tpu.memory_space<vmem>> -> memref<1x256xf32, #tpu.memory_space<vmem>>
    %dma_start3A_85 = arith.constant 512 : i32
    %dma_start3A_86 = tpu.memref_slice %arg2[%squeeze3A, %dma_start3A_85] : memref<32768x1024xf32, #tpu.memory_space<hbm>> -> memref<1x256xf32, #tpu.memory_space<hbm>>
    %dma_start3A_87 = arith.constant 0 : i32
    %dma_start3A_88 = arith.constant 512 : i32
    %dma_start3A_89 = tpu.memref_slice %arg8[%dma_start3A_87, %dma_start3A_88] : memref<1x1024xf32, #tpu.memory_space<vmem>> -> memref<1x256xf32, #tpu.memory_space<vmem>>
    %dma_start3A_90 = arith.constant 512 : i32
    %dma_start3A_91 = tpu.memref_slice %arg2[%squeeze3A, %dma_start3A_90] : memref<32768x1024xf32, #tpu.memory_space<hbm>> -> memref<1x256xf32, #tpu.memory_space<hbm>>
    tpu.enqueue_dma source(%dma_start3A_91 : memref<1x256xf32, #tpu.memory_space<hbm>>) target(%dma_start3A_89 : memref<1x256xf32, #tpu.memory_space<vmem>>) target_semaphore(%arg12 : memref<!tpu.dma_semaphore, #tpu.memory_space<semaphore_mem>>)
    %dma_start3A_92 = arith.constant 0 : i32
    %dma_start3A_93 = arith.constant 768 : i32
    %dma_start3A_94 = tpu.memref_slice %arg8[%dma_start3A_92, %dma_start3A_93] : memref<1x1024xf32, #tpu.memory_space<vmem>> -> memref<1x256xf32, #tpu.memory_space<vmem>>
    %dma_start3A_95 = arith.constant 768 : i32
    %dma_start3A_96 = tpu.memref_slice %arg2[%squeeze3A, %dma_start3A_95] : memref<32768x1024xf32, #tpu.memory_space<hbm>> -> memref<1x256xf32, #tpu.memory_space<hbm>>
    %dma_start3A_97 = arith.constant 0 : i32
    %dma_start3A_98 = arith.constant 768 : i32
    %dma_start3A_99 = tpu.memref_slice %arg8[%dma_start3A_97, %dma_start3A_98] : memref<1x1024xf32, #tpu.memory_space<vmem>> -> memref<1x256xf32, #tpu.memory_space<vmem>>
    %dma_start3A_100 = arith.constant 768 : i32
    %dma_start3A_101 = tpu.memref_slice %arg2[%squeeze3A, %dma_start3A_100] : memref<32768x1024xf32, #tpu.memory_space<hbm>> -> memref<1x256xf32, #tpu.memory_space<hbm>>
    tpu.enqueue_dma source(%dma_start3A_101 : memref<1x256xf32, #tpu.memory_space<hbm>>) target(%dma_start3A_99 : memref<1x256xf32, #tpu.memory_space<vmem>>) target_semaphore(%arg13 : memref<!tpu.dma_semaphore, #tpu.memory_space<semaphore_mem>>)
    %broadcast_in_dim3A_102 = arith.constant 0.000000e+00 : f32
    %broadcast_in_dim3A_103 = vector.broadcast %broadcast_in_dim3A_102 : f32 to vector<16xf32>
    %broadcast_in_dim3A_104 = arith.constant 0.000000e+00 : f32
    %broadcast_in_dim3A_105 = vector.broadcast %broadcast_in_dim3A_104 : f32 to vector<16xf32>
    %broadcast_in_dim3A_106 = arith.constant 0.000000e+00 : f32
    %broadcast_in_dim3A_107 = vector.broadcast %broadcast_in_dim3A_106 : f32 to vector<16xf32>
    %broadcast_in_dim3A_108 = arith.constant 0.000000e+00 : f32
    %broadcast_in_dim3A_109 = vector.broadcast %broadcast_in_dim3A_108 : f32 to vector<16xf32>
    %dma_wait3A = arith.constant 0 : i32
    %dma_wait3A_110 = arith.constant 0 : i32
    %dma_wait3A_111 = tpu.memref_slice %arg8[%dma_wait3A, %dma_wait3A_110] : memref<1x1024xf32, #tpu.memory_space<vmem>> -> memref<1x256xf32, #tpu.memory_space<vmem>>
    %dma_wait3A_112 = arith.constant 0 : i32
    %dma_wait3A_113 = tpu.memref_slice %arg2[%squeeze3A, %dma_wait3A_112] : memref<32768x1024xf32, #tpu.memory_space<hbm>> -> memref<1x256xf32, #tpu.memory_space<hbm>>
    %dma_wait3A_114 = arith.constant 0 : i32
    %dma_wait3A_115 = arith.constant 0 : i32
    %dma_wait3A_116 = tpu.memref_slice %arg8[%dma_wait3A_114, %dma_wait3A_115] : memref<1x1024xf32, #tpu.memory_space<vmem>> -> memref<1x256xf32, #tpu.memory_space<vmem>>
    %dma_wait3A_117 = arith.constant 0 : i32
    %dma_wait3A_118 = tpu.memref_slice %arg2[%squeeze3A, %dma_wait3A_117] : memref<32768x1024xf32, #tpu.memory_space<hbm>> -> memref<1x256xf32, #tpu.memory_space<hbm>>
    tpu.wait_dma2 semaphore(%arg10 : memref<!tpu.dma_semaphore, #tpu.memory_space<semaphore_mem>>) src(%dma_wait3A_118 : memref<1x256xf32, #tpu.memory_space<hbm>>) dst(%dma_wait3A_116 : memref<1x256xf32, #tpu.memory_space<vmem>>)
    %get3A_119 = arith.constant 0 : i32
    %get3A_120 = arith.index_cast %get3A_119 : i32 to index
    %get3A_121 = arith.constant 0 : index
    %get3A_122 = tpu.vector_load %arg8[%get3A_120, %get3A_121] {strides = array<i32>} : memref<1x1024xf32, #tpu.memory_space<vmem>>, vector<1x16xf32>,
    %get3A_123 = vector.shape_cast %get3A_122 : vector<1x16xf32> to vector<16xf32>
    %mul3A = arith.mulf %get3A_123, %get3A_123 : vector<16xf32>
    %add3A_124 = arith.addf %broadcast_in_dim3A_103, %mul3A : vector<16xf32>
    %get3A_125 = arith.constant 0 : i32
    %get3A_126 = arith.index_cast %get3A_125 : i32 to index
    %get3A_127 = arith.constant 16 : index
    %get3A_128 = tpu.vector_load %arg8[%get3A_126, %get3A_127] {strides = array<i32>} : memref<1x1024xf32, #tpu.memory_space<vmem>>, vector<1x16xf32>,
    %get3A_129 = vector.shape_cast %get3A_128 : vector<1x16xf32> to vector<16xf32>
    %mul3A_130 = arith.mulf %get3A_129, %get3A_129 : vector<16xf32>
    %add3A_131 = arith.addf %broadcast_in_dim3A_105, %mul3A_130 : vector<16xf32>
    %get3A_132 = arith.constant 0 : i32
    %get3A_133 = arith.index_cast %get3A_132 : i32 to index
    %get3A_134 = arith.constant 32 : index
    %get3A_135 = tpu.vector_load %arg8[%get3A_133, %get3A_134] {strides = array<i32>} : memref<1x1024xf32, #tpu.memory_space<vmem>>, vector<1x16xf32>,
    %get3A_136 = vector.shape_cast %get3A_135 : vector<1x16xf32> to vector<16xf32>
    %mul3A_137 = arith.mulf %get3A_136, %get3A_136 : vector<16xf32>
    %add3A_138 = arith.addf %broadcast_in_dim3A_107, %mul3A_137 : vector<16xf32>
    %get3A_139 = arith.constant 0 : i32
    %get3A_140 = arith.index_cast %get3A_139 : i32 to index
    %get3A_141 = arith.constant 48 : index
    %get3A_142 = tpu.vector_load %arg8[%get3A_140, %get3A_141] {strides = array<i32>} : memref<1x1024xf32, #tpu.memory_space<vmem>>, vector<1x16xf32>,
    %get3A_143 = vector.shape_cast %get3A_142 : vector<1x16xf32> to vector<16xf32>
    %mul3A_144 = arith.mulf %get3A_143, %get3A_143 : vector<16xf32>
    %add3A_145 = arith.addf %broadcast_in_dim3A_109, %mul3A_144 : vector<16xf32>
    %get3A_146 = arith.constant 0 : i32
    %get3A_147 = arith.index_cast %get3A_146 : i32 to index
    %get3A_148 = arith.constant 64 : index
    %get3A_149 = tpu.vector_load %arg8[%get3A_147, %get3A_148] {strides = array<i32>} : memref<1x1024xf32, #tpu.memory_space<vmem>>, vector<1x16xf32>,
    %get3A_150 = vector.shape_cast %get3A_149 : vector<1x16xf32> to vector<16xf32>
    %mul3A_151 = arith.mulf %get3A_150, %get3A_150 : vector<16xf32>
    %add3A_152 = arith.addf %add3A_124, %mul3A_151 : vector<16xf32>
    %get3A_153 = arith.constant 0 : i32
    %get3A_154 = arith.index_cast %get3A_153 : i32 to index
    %get3A_155 = arith.constant 80 : index
    %get3A_156 = tpu.vector_load %arg8[%get3A_154, %get3A_155] {strides = array<i32>} : memref<1x1024xf32, #tpu.memory_space<vmem>>, vector<1x16xf32>,
    %get3A_157 = vector.shape_cast %get3A_156 : vector<1x16xf32> to vector<16xf32>
    %mul3A_158 = arith.mulf %get3A_157, %get3A_157 : vector<16xf32>
    %add3A_159 = arith.addf %add3A_131, %mul3A_158 : vector<16xf32>
    %get3A_160 = arith.constant 0 : i32
    %get3A_161 = arith.index_cast %get3A_160 : i32 to index
    %get3A_162 = arith.constant 96 : index
    %get3A_163 = tpu.vector_load %arg8[%get3A_161, %get3A_162] {strides = array<i32>} : memref<1x1024xf32, #tpu.memory_space<vmem>>, vector<1x16xf32>,
    %get3A_164 = vector.shape_cast %get3A_163 : vector<1x16xf32> to vector<16xf32>
    %mul3A_165 = arith.mulf %get3A_164, %get3A_164 : vector<16xf32>
    %add3A_166 = arith.addf %add3A_138, %mul3A_165 : vector<16xf32>
    %get3A_167 = arith.constant 0 : i32
    %get3A_168 = arith.index_cast %get3A_167 : i32 to index
    %get3A_169 = arith.constant 112 : index
    %get3A_170 = tpu.vector_load %arg8[%get3A_168, %get3A_169] {strides = array<i32>} : memref<1x1024xf32, #tpu.memory_space<vmem>>, vector<1x16xf32>,
    %get3A_171 = vector.shape_cast %get3A_170 : vector<1x16xf32> to vector<16xf32>
    %mul3A_172 = arith.mulf %get3A_171, %get3A_171 : vector<16xf32>
    %add3A_173 = arith.addf %add3A_145, %mul3A_172 : vector<16xf32>
    %get3A_174 = arith.constant 0 : i32
    %get3A_175 = arith.index_cast %get3A_174 : i32 to index
    %get3A_176 = arith.constant 128 : index
    %get3A_177 = tpu.vector_load %arg8[%get3A_175, %get3A_176] {strides = array<i32>} : memref<1x1024xf32, #tpu.memory_space<vmem>>, vector<1x16xf32>,
    %get3A_178 = vector.shape_cast %get3A_177 : vector<1x16xf32> to vector<16xf32>
    %mul3A_179 = arith.mulf %get3A_178, %get3A_178 : vector<16xf32>
    %add3A_180 = arith.addf %add3A_152, %mul3A_179 : vector<16xf32>
    %get3A_181 = arith.constant 0 : i32
    %get3A_182 = arith.index_cast %get3A_181 : i32 to index
    %get3A_183 = arith.constant 144 : index
    %get3A_184 = tpu.vector_load %arg8[%get3A_182, %get3A_183] {strides = array<i32>} : memref<1x1024xf32, #tpu.memory_space<vmem>>, vector<1x16xf32>,
    %get3A_185 = vector.shape_cast %get3A_184 : vector<1x16xf32> to vector<16xf32>
    %mul3A_186 = arith.mulf %get3A_185, %get3A_185 : vector<16xf32>
    %add3A_187 = arith.addf %add3A_159, %mul3A_186 : vector<16xf32>
    %get3A_188 = arith.constant 0 : i32
    %get3A_189 = arith.index_cast %get3A_188 : i32 to index
    %get3A_190 = arith.constant 160 : index
    %get3A_191 = tpu.vector_load %arg8[%get3A_189, %get3A_190] {strides = array<i32>} : memref<1x1024xf32, #tpu.memory_space<vmem>>, vector<1x16xf32>,
    %get3A_192 = vector.shape_cast %get3A_191 : vector<1x16xf32> to vector<16xf32>
    %mul3A_193 = arith.mulf %get3A_192, %get3A_192 : vector<16xf32>
    %add3A_194 = arith.addf %add3A_166, %mul3A_193 : vector<16xf32>
    %get3A_195 = arith.constant 0 : i32
    %get3A_196 = arith.index_cast %get3A_195 : i32 to index
    %get3A_197 = arith.constant 176 : index
    %get3A_198 = tpu.vector_load %arg8[%get3A_196, %get3A_197] {strides = array<i32>} : memref<1x1024xf32, #tpu.memory_space<vmem>>, vector<1x16xf32>,
    %get3A_199 = vector.shape_cast %get3A_198 : vector<1x16xf32> to vector<16xf32>
    %mul3A_200 = arith.mulf %get3A_199, %get3A_199 : vector<16xf32>
    %add3A_201 = arith.addf %add3A_173, %mul3A_200 : vector<16xf32>
    %get3A_202 = arith.constant 0 : i32
    %get3A_203 = arith.index_cast %get3A_202 : i32 to index
    %get3A_204 = arith.constant 192 : index
    %get3A_205 = tpu.vector_load %arg8[%get3A_203, %get3A_204] {strides = array<i32>} : memref<1x1024xf32, #tpu.memory_space<vmem>>, vector<1x16xf32>,
    %get3A_206 = vector.shape_cast %get3A_205 : vector<1x16xf32> to vector<16xf32>
    %mul3A_207 = arith.mulf %get3A_206, %get3A_206 : vector<16xf32>
    %add3A_208 = arith.addf %add3A_180, %mul3A_207 : vector<16xf32>
    %get3A_209 = arith.constant 0 : i32
    %get3A_210 = arith.index_cast %get3A_209 : i32 to index
    %get3A_211 = arith.constant 208 : index
    %get3A_212 = tpu.vector_load %arg8[%get3A_210, %get3A_211] {strides = array<i32>} : memref<1x1024xf32, #tpu.memory_space<vmem>>, vector<1x16xf32>,
    %get3A_213 = vector.shape_cast %get3A_212 : vector<1x16xf32> to vector<16xf32>
    %mul3A_214 = arith.mulf %get3A_213, %get3A_213 : vector<16xf32>
    %add3A_215 = arith.addf %add3A_187, %mul3A_214 : vector<16xf32>
    %get3A_216 = arith.constant 0 : i32
    %get3A_217 = arith.index_cast %get3A_216 : i32 to index
    %get3A_218 = arith.constant 224 : index
    %get3A_219 = tpu.vector_load %arg8[%get3A_217, %get3A_218] {strides = array<i32>} : memref<1x1024xf32, #tpu.memory_space<vmem>>, vector<1x16xf32>,
    %get3A_220 = vector.shape_cast %get3A_219 : vector<1x16xf32> to vector<16xf32>
    %mul3A_221 = arith.mulf %get3A_220, %get3A_220 : vector<16xf32>
    %add3A_222 = arith.addf %add3A_194, %mul3A_221 : vector<16xf32>
    %get3A_223 = arith.constant 0 : i32
    %get3A_224 = arith.index_cast %get3A_223 : i32 to index
    %get3A_225 = arith.constant 240 : index
    %get3A_226 = tpu.vector_load %arg8[%get3A_224, %get3A_225] {strides = array<i32>} : memref<1x1024xf32, #tpu.memory_space<vmem>>, vector<1x16xf32>,
    %get3A_227 = vector.shape_cast %get3A_226 : vector<1x16xf32> to vector<16xf32>
    %mul3A_228 = arith.mulf %get3A_227, %get3A_227 : vector<16xf32>
    %add3A_229 = arith.addf %add3A_201, %mul3A_228 : vector<16xf32>
    %dma_wait3A_230 = arith.constant 0 : i32
    %dma_wait3A_231 = arith.constant 256 : i32
    %dma_wait3A_232 = tpu.memref_slice %arg8[%dma_wait3A_230, %dma_wait3A_231] : memref<1x1024xf32, #tpu.memory_space<vmem>> -> memref<1x256xf32, #tpu.memory_space<vmem>>
    %dma_wait3A_233 = arith.constant 256 : i32
    %dma_wait3A_234 = tpu.memref_slice %arg2[%squeeze3A, %dma_wait3A_233] : memref<32768x1024xf32, #tpu.memory_space<hbm>> -> memref<1x256xf32, #tpu.memory_space<hbm>>
    %dma_wait3A_235 = arith.constant 0 : i32
    %dma_wait3A_236 = arith.constant 256 : i32
    %dma_wait3A_237 = tpu.memref_slice %arg8[%dma_wait3A_235, %dma_wait3A_236] : memref<1x1024xf32, #tpu.memory_space<vmem>> -> memref<1x256xf32, #tpu.memory_space<vmem>>
    %dma_wait3A_238 = arith.constant 256 : i32
    %dma_wait3A_239 = tpu.memref_slice %arg2[%squeeze3A, %dma_wait3A_238] : memref<32768x1024xf32, #tpu.memory_space<hbm>> -> memref<1x256xf32, #tpu.memory_space<hbm>>
    tpu.wait_dma2 semaphore(%arg11 : memref<!tpu.dma_semaphore, #tpu.memory_space<semaphore_mem>>) src(%dma_wait3A_239 : memref<1x256xf32, #tpu.memory_space<hbm>>) dst(%dma_wait3A_237 : memref<1x256xf32, #tpu.memory_space<vmem>>)
    %get3A_240 = arith.constant 0 : i32
    %get3A_241 = arith.index_cast %get3A_240 : i32 to index
    %get3A_242 = arith.constant 256 : index
    %get3A_243 = tpu.vector_load %arg8[%get3A_241, %get3A_242] {strides = array<i32>} : memref<1x1024xf32, #tpu.memory_space<vmem>>, vector<1x16xf32>,
    %get3A_244 = vector.shape_cast %get3A_243 : vector<1x16xf32> to vector<16xf32>
    %mul3A_245 = arith.mulf %get3A_244, %get3A_244 : vector<16xf32>
    %add3A_246 = arith.addf %add3A_208, %mul3A_245 : vector<16xf32>
    %get3A_247 = arith.constant 0 : i32
    %get3A_248 = arith.index_cast %get3A_247 : i32 to index
    %get3A_249 = arith.constant 272 : index
    %get3A_250 = tpu.vector_load %arg8[%get3A_248, %get3A_249] {strides = array<i32>} : memref<1x1024xf32, #tpu.memory_space<vmem>>, vector<1x16xf32>,
    %get3A_251 = vector.shape_cast %get3A_250 : vector<1x16xf32> to vector<16xf32>
    %mul3A_252 = arith.mulf %get3A_251, %get3A_251 : vector<16xf32>
    %add3A_253 = arith.addf %add3A_215, %mul3A_252 : vector<16xf32>
    %get3A_254 = arith.constant 0 : i32
    %get3A_255 = arith.index_cast %get3A_254 : i32 to index
    %get3A_256 = arith.constant 288 : index
    %get3A_257 = tpu.vector_load %arg8[%get3A_255, %get3A_256] {strides = array<i32>} : memref<1x1024xf32, #tpu.memory_space<vmem>>, vector<1x16xf32>,
    %get3A_258 = vector.shape_cast %get3A_257 : vector<1x16xf32> to vector<16xf32>
    %mul3A_259 = arith.mulf %get3A_258, %get3A_258 : vector<16xf32>
    %add3A_260 = arith.addf %add3A_222, %mul3A_259 : vector<16xf32>
    %get3A_261 = arith.constant 0 : i32
    %get3A_262 = arith.index_cast %get3A_261 : i32 to index
    %get3A_263 = arith.constant 304 : index
    %get3A_264 = tpu.vector_load %arg8[%get3A_262, %get3A_263] {strides = array<i32>} : memref<1x1024xf32, #tpu.memory_space<vmem>>, vector<1x16xf32>,
    %get3A_265 = vector.shape_cast %get3A_264 : vector<1x16xf32> to vector<16xf32>
    %mul3A_266 = arith.mulf %get3A_265, %get3A_265 : vector<16xf32>
    %add3A_267 = arith.addf %add3A_229, %mul3A_266 : vector<16xf32>
    %get3A_268 = arith.constant 0 : i32
    %get3A_269 = arith.index_cast %get3A_268 : i32 to index
    %get3A_270 = arith.constant 320 : index
    %get3A_271 = tpu.vector_load %arg8[%get3A_269, %get3A_270] {strides = array<i32>} : memref<1x1024xf32, #tpu.memory_space<vmem>>, vector<1x16xf32>,
    %get3A_272 = vector.shape_cast %get3A_271 : vector<1x16xf32> to vector<16xf32>
    %mul3A_273 = arith.mulf %get3A_272, %get3A_272 : vector<16xf32>
    %add3A_274 = arith.addf %add3A_246, %mul3A_273 : vector<16xf32>
    %get3A_275 = arith.constant 0 : i32
    %get3A_276 = arith.index_cast %get3A_275 : i32 to index
    %get3A_277 = arith.constant 336 : index
    %get3A_278 = tpu.vector_load %arg8[%get3A_276, %get3A_277] {strides = array<i32>} : memref<1x1024xf32, #tpu.memory_space<vmem>>, vector<1x16xf32>,
    %get3A_279 = vector.shape_cast %get3A_278 : vector<1x16xf32> to vector<16xf32>
    %mul3A_280 = arith.mulf %get3A_279, %get3A_279 : vector<16xf32>
    %add3A_281 = arith.addf %add3A_253, %mul3A_280 : vector<16xf32>
    %get3A_282 = arith.constant 0 : i32
    %get3A_283 = arith.index_cast %get3A_282 : i32 to index
    %get3A_284 = arith.constant 352 : index
    %get3A_285 = tpu.vector_load %arg8[%get3A_283, %get3A_284] {strides = array<i32>} : memref<1x1024xf32, #tpu.memory_space<vmem>>, vector<1x16xf32>,
    %get3A_286 = vector.shape_cast %get3A_285 : vector<1x16xf32> to vector<16xf32>
    %mul3A_287 = arith.mulf %get3A_286, %get3A_286 : vector<16xf32>
    %add3A_288 = arith.addf %add3A_260, %mul3A_287 : vector<16xf32>
    %get3A_289 = arith.constant 0 : i32
    %get3A_290 = arith.index_cast %get3A_289 : i32 to index
    %get3A_291 = arith.constant 368 : index
    %get3A_292 = tpu.vector_load %arg8[%get3A_290, %get3A_291] {strides = array<i32>} : memref<1x1024xf32, #tpu.memory_space<vmem>>, vector<1x16xf32>,
    %get3A_293 = vector.shape_cast %get3A_292 : vector<1x16xf32> to vector<16xf32>
    %mul3A_294 = arith.mulf %get3A_293, %get3A_293 : vector<16xf32>
    %add3A_295 = arith.addf %add3A_267, %mul3A_294 : vector<16xf32>
    %get3A_296 = arith.constant 0 : i32
    %get3A_297 = arith.index_cast %get3A_296 : i32 to index
    %get3A_298 = arith.constant 384 : index
    %get3A_299 = tpu.vector_load %arg8[%get3A_297, %get3A_298] {strides = array<i32>} : memref<1x1024xf32, #tpu.memory_space<vmem>>, vector<1x16xf32>,
    %get3A_300 = vector.shape_cast %get3A_299 : vector<1x16xf32> to vector<16xf32>
    %mul3A_301 = arith.mulf %get3A_300, %get3A_300 : vector<16xf32>
    %add3A_302 = arith.addf %add3A_274, %mul3A_301 : vector<16xf32>
    %get3A_303 = arith.constant 0 : i32
    %get3A_304 = arith.index_cast %get3A_303 : i32 to index
    %get3A_305 = arith.constant 400 : index
    %get3A_306 = tpu.vector_load %arg8[%get3A_304, %get3A_305] {strides = array<i32>} : memref<1x1024xf32, #tpu.memory_space<vmem>>, vector<1x16xf32>,
    %get3A_307 = vector.shape_cast %get3A_306 : vector<1x16xf32> to vector<16xf32>
    %mul3A_308 = arith.mulf %get3A_307, %get3A_307 : vector<16xf32>
    %add3A_309 = arith.addf %add3A_281, %mul3A_308 : vector<16xf32>
    %get3A_310 = arith.constant 0 : i32
    %get3A_311 = arith.index_cast %get3A_310 : i32 to index
    %get3A_312 = arith.constant 416 : index
    %get3A_313 = tpu.vector_load %arg8[%get3A_311, %get3A_312] {strides = array<i32>} : memref<1x1024xf32, #tpu.memory_space<vmem>>, vector<1x16xf32>,
    %get3A_314 = vector.shape_cast %get3A_313 : vector<1x16xf32> to vector<16xf32>
    %mul3A_315 = arith.mulf %get3A_314, %get3A_314 : vector<16xf32>
    %add3A_316 = arith.addf %add3A_288, %mul3A_315 : vector<16xf32>
    %get3A_317 = arith.constant 0 : i32
    %get3A_318 = arith.index_cast %get3A_317 : i32 to index
    %get3A_319 = arith.constant 432 : index
    %get3A_320 = tpu.vector_load %arg8[%get3A_318, %get3A_319] {strides = array<i32>} : memref<1x1024xf32, #tpu.memory_space<vmem>>, vector<1x16xf32>,
    %get3A_321 = vector.shape_cast %get3A_320 : vector<1x16xf32> to vector<16xf32>
    %mul3A_322 = arith.mulf %get3A_321, %get3A_321 : vector<16xf32>
    %add3A_323 = arith.addf %add3A_295, %mul3A_322 : vector<16xf32>
    %get3A_324 = arith.constant 0 : i32
    %get3A_325 = arith.index_cast %get3A_324 : i32 to index
    %get3A_326 = arith.constant 448 : index
    %get3A_327 = tpu.vector_load %arg8[%get3A_325, %get3A_326] {strides = array<i32>} : memref<1x1024xf32, #tpu.memory_space<vmem>>, vector<1x16xf32>,
    %get3A_328 = vector.shape_cast %get3A_327 : vector<1x16xf32> to vector<16xf32>
    %mul3A_329 = arith.mulf %get3A_328, %get3A_328 : vector<16xf32>
    %add3A_330 = arith.addf %add3A_302, %mul3A_329 : vector<16xf32>
    %get3A_331 = arith.constant 0 : i32
    %get3A_332 = arith.index_cast %get3A_331 : i32 to index
    %get3A_333 = arith.constant 464 : index
    %get3A_334 = tpu.vector_load %arg8[%get3A_332, %get3A_333] {strides = array<i32>} : memref<1x1024xf32, #tpu.memory_space<vmem>>, vector<1x16xf32>,
    %get3A_335 = vector.shape_cast %get3A_334 : vector<1x16xf32> to vector<16xf32>
    %mul3A_336 = arith.mulf %get3A_335, %get3A_335 : vector<16xf32>
    %add3A_337 = arith.addf %add3A_309, %mul3A_336 : vector<16xf32>
    %get3A_338 = arith.constant 0 : i32
    %get3A_339 = arith.index_cast %get3A_338 : i32 to index
    %get3A_340 = arith.constant 480 : index
    %get3A_341 = tpu.vector_load %arg8[%get3A_339, %get3A_340] {strides = array<i32>} : memref<1x1024xf32, #tpu.memory_space<vmem>>, vector<1x16xf32>,
    %get3A_342 = vector.shape_cast %get3A_341 : vector<1x16xf32> to vector<16xf32>
    %mul3A_343 = arith.mulf %get3A_342, %get3A_342 : vector<16xf32>
    %add3A_344 = arith.addf %add3A_316, %mul3A_343 : vector<16xf32>
    %get3A_345 = arith.constant 0 : i32
    %get3A_346 = arith.index_cast %get3A_345 : i32 to index
    %get3A_347 = arith.constant 496 : index
    %get3A_348 = tpu.vector_load %arg8[%get3A_346, %get3A_347] {strides = array<i32>} : memref<1x1024xf32, #tpu.memory_space<vmem>>, vector<1x16xf32>,
    %get3A_349 = vector.shape_cast %get3A_348 : vector<1x16xf32> to vector<16xf32>
    %mul3A_350 = arith.mulf %get3A_349, %get3A_349 : vector<16xf32>
    %add3A_351 = arith.addf %add3A_323, %mul3A_350 : vector<16xf32>
    %dma_wait3A_352 = arith.constant 0 : i32
    %dma_wait3A_353 = arith.constant 512 : i32
    %dma_wait3A_354 = tpu.memref_slice %arg8[%dma_wait3A_352, %dma_wait3A_353] : memref<1x1024xf32, #tpu.memory_space<vmem>> -> memref<1x256xf32, #tpu.memory_space<vmem>>
    %dma_wait3A_355 = arith.constant 512 : i32
    %dma_wait3A_356 = tpu.memref_slice %arg2[%squeeze3A, %dma_wait3A_355] : memref<32768x1024xf32, #tpu.memory_space<hbm>> -> memref<1x256xf32, #tpu.memory_space<hbm>>
    %dma_wait3A_357 = arith.constant 0 : i32
    %dma_wait3A_358 = arith.constant 512 : i32
    %dma_wait3A_359 = tpu.memref_slice %arg8[%dma_wait3A_357, %dma_wait3A_358] : memref<1x1024xf32, #tpu.memory_space<vmem>> -> memref<1x256xf32, #tpu.memory_space<vmem>>
    %dma_wait3A_360 = arith.constant 512 : i32
    %dma_wait3A_361 = tpu.memref_slice %arg2[%squeeze3A, %dma_wait3A_360] : memref<32768x1024xf32, #tpu.memory_space<hbm>> -> memref<1x256xf32, #tpu.memory_space<hbm>>
    tpu.wait_dma2 semaphore(%arg12 : memref<!tpu.dma_semaphore, #tpu.memory_space<semaphore_mem>>) src(%dma_wait3A_361 : memref<1x256xf32, #tpu.memory_space<hbm>>) dst(%dma_wait3A_359 : memref<1x256xf32, #tpu.memory_space<vmem>>)
    %get3A_362 = arith.constant 0 : i32
    %get3A_363 = arith.index_cast %get3A_362 : i32 to index
    %get3A_364 = arith.constant 512 : index
    %get3A_365 = tpu.vector_load %arg8[%get3A_363, %get3A_364] {strides = array<i32>} : memref<1x1024xf32, #tpu.memory_space<vmem>>, vector<1x16xf32>,
    %get3A_366 = vector.shape_cast %get3A_365 : vector<1x16xf32> to vector<16xf32>
    %mul3A_367 = arith.mulf %get3A_366, %get3A_366 : vector<16xf32>
    %add3A_368 = arith.addf %add3A_330, %mul3A_367 : vector<16xf32>
    %get3A_369 = arith.constant 0 : i32
    %get3A_370 = arith.index_cast %get3A_369 : i32 to index
    %get3A_371 = arith.constant 528 : index
    %get3A_372 = tpu.vector_load %arg8[%get3A_370, %get3A_371] {strides = array<i32>} : memref<1x1024xf32, #tpu.memory_space<vmem>>, vector<1x16xf32>,
    %get3A_373 = vector.shape_cast %get3A_372 : vector<1x16xf32> to vector<16xf32>
    %mul3A_374 = arith.mulf %get3A_373, %get3A_373 : vector<16xf32>
    %add3A_375 = arith.addf %add3A_337, %mul3A_374 : vector<16xf32>
    %get3A_376 = arith.constant 0 : i32
    %get3A_377 = arith.index_cast %get3A_376 : i32 to index
    %get3A_378 = arith.constant 544 : index
    %get3A_379 = tpu.vector_load %arg8[%get3A_377, %get3A_378] {strides = array<i32>} : memref<1x1024xf32, #tpu.memory_space<vmem>>, vector<1x16xf32>,
    %get3A_380 = vector.shape_cast %get3A_379 : vector<1x16xf32> to vector<16xf32>
    %mul3A_381 = arith.mulf %get3A_380, %get3A_380 : vector<16xf32>
    %add3A_382 = arith.addf %add3A_344, %mul3A_381 : vector<16xf32>
    %get3A_383 = arith.constant 0 : i32
    %get3A_384 = arith.index_cast %get3A_383 : i32 to index
    %get3A_385 = arith.constant 560 : index
    %get3A_386 = tpu.vector_load %arg8[%get3A_384, %get3A_385] {strides = array<i32>} : memref<1x1024xf32, #tpu.memory_space<vmem>>, vector<1x16xf32>,
    %get3A_387 = vector.shape_cast %get3A_386 : vector<1x16xf32> to vector<16xf32>
    %mul3A_388 = arith.mulf %get3A_387, %get3A_387 : vector<16xf32>
    %add3A_389 = arith.addf %add3A_351, %mul3A_388 : vector<16xf32>
    %get3A_390 = arith.constant 0 : i32
    %get3A_391 = arith.index_cast %get3A_390 : i32 to index
    %get3A_392 = arith.constant 576 : index
    %get3A_393 = tpu.vector_load %arg8[%get3A_391, %get3A_392] {strides = array<i32>} : memref<1x1024xf32, #tpu.memory_space<vmem>>, vector<1x16xf32>,
    %get3A_394 = vector.shape_cast %get3A_393 : vector<1x16xf32> to vector<16xf32>
    %mul3A_395 = arith.mulf %get3A_394, %get3A_394 : vector<16xf32>
    %add3A_396 = arith.addf %add3A_368, %mul3A_395 : vector<16xf32>
    %get3A_397 = arith.constant 0 : i32
    %get3A_398 = arith.index_cast %get3A_397 : i32 to index
    %get3A_399 = arith.constant 592 : index
    %get3A_400 = tpu.vector_load %arg8[%get3A_398, %get3A_399] {strides = array<i32>} : memref<1x1024xf32, #tpu.memory_space<vmem>>, vector<1x16xf32>,
    %get3A_401 = vector.shape_cast %get3A_400 : vector<1x16xf32> to vector<16xf32>
    %mul3A_402 = arith.mulf %get3A_401, %get3A_401 : vector<16xf32>
    %add3A_403 = arith.addf %add3A_375, %mul3A_402 : vector<16xf32>
    %get3A_404 = arith.constant 0 : i32
    %get3A_405 = arith.index_cast %get3A_404 : i32 to index
    %get3A_406 = arith.constant 608 : index
    %get3A_407 = tpu.vector_load %arg8[%get3A_405, %get3A_406] {strides = array<i32>} : memref<1x1024xf32, #tpu.memory_space<vmem>>, vector<1x16xf32>,
    %get3A_408 = vector.shape_cast %get3A_407 : vector<1x16xf32> to vector<16xf32>
    %mul3A_409 = arith.mulf %get3A_408, %get3A_408 : vector<16xf32>
    %add3A_410 = arith.addf %add3A_382, %mul3A_409 : vector<16xf32>
    %get3A_411 = arith.constant 0 : i32
    %get3A_412 = arith.index_cast %get3A_411 : i32 to index
    %get3A_413 = arith.constant 624 : index
    %get3A_414 = tpu.vector_load %arg8[%get3A_412, %get3A_413] {strides = array<i32>} : memref<1x1024xf32, #tpu.memory_space<vmem>>, vector<1x16xf32>,
    %get3A_415 = vector.shape_cast %get3A_414 : vector<1x16xf32> to vector<16xf32>
    %mul3A_416 = arith.mulf %get3A_415, %get3A_415 : vector<16xf32>
    %add3A_417 = arith.addf %add3A_389, %mul3A_416 : vector<16xf32>
    %get3A_418 = arith.constant 0 : i32
    %get3A_419 = arith.index_cast %get3A_418 : i32 to index
    %get3A_420 = arith.constant 640 : index
    %get3A_421 = tpu.vector_load %arg8[%get3A_419, %get3A_420] {strides = array<i32>} : memref<1x1024xf32, #tpu.memory_space<vmem>>, vector<1x16xf32>,
    %get3A_422 = vector.shape_cast %get3A_421 : vector<1x16xf32> to vector<16xf32>
    %mul3A_423 = arith.mulf %get3A_422, %get3A_422 : vector<16xf32>
    %add3A_424 = arith.addf %add3A_396, %mul3A_423 : vector<16xf32>
    %get3A_425 = arith.constant 0 : i32
    %get3A_426 = arith.index_cast %get3A_425 : i32 to index
    %get3A_427 = arith.constant 656 : index
    %get3A_428 = tpu.vector_load %arg8[%get3A_426, %get3A_427] {strides = array<i32>} : memref<1x1024xf32, #tpu.memory_space<vmem>>, vector<1x16xf32>,
    %get3A_429 = vector.shape_cast %get3A_428 : vector<1x16xf32> to vector<16xf32>
    %mul3A_430 = arith.mulf %get3A_429, %get3A_429 : vector<16xf32>
    %add3A_431 = arith.addf %add3A_403, %mul3A_430 : vector<16xf32>
    %get3A_432 = arith.constant 0 : i32
    %get3A_433 = arith.index_cast %get3A_432 : i32 to index
    %get3A_434 = arith.constant 672 : index
    %get3A_435 = tpu.vector_load %arg8[%get3A_433, %get3A_434] {strides = array<i32>} : memref<1x1024xf32, #tpu.memory_space<vmem>>, vector<1x16xf32>,
    %get3A_436 = vector.shape_cast %get3A_435 : vector<1x16xf32> to vector<16xf32>
    %mul3A_437 = arith.mulf %get3A_436, %get3A_436 : vector<16xf32>
    %add3A_438 = arith.addf %add3A_410, %mul3A_437 : vector<16xf32>
    %get3A_439 = arith.constant 0 : i32
    %get3A_440 = arith.index_cast %get3A_439 : i32 to index
    %get3A_441 = arith.constant 688 : index
    %get3A_442 = tpu.vector_load %arg8[%get3A_440, %get3A_441] {strides = array<i32>} : memref<1x1024xf32, #tpu.memory_space<vmem>>, vector<1x16xf32>,
    %get3A_443 = vector.shape_cast %get3A_442 : vector<1x16xf32> to vector<16xf32>
    %mul3A_444 = arith.mulf %get3A_443, %get3A_443 : vector<16xf32>
    %add3A_445 = arith.addf %add3A_417, %mul3A_444 : vector<16xf32>
    %get3A_446 = arith.constant 0 : i32
    %get3A_447 = arith.index_cast %get3A_446 : i32 to index
    %get3A_448 = arith.constant 704 : index
    %get3A_449 = tpu.vector_load %arg8[%get3A_447, %get3A_448] {strides = array<i32>} : memref<1x1024xf32, #tpu.memory_space<vmem>>, vector<1x16xf32>,
    %get3A_450 = vector.shape_cast %get3A_449 : vector<1x16xf32> to vector<16xf32>
    %mul3A_451 = arith.mulf %get3A_450, %get3A_450 : vector<16xf32>
    %add3A_452 = arith.addf %add3A_424, %mul3A_451 : vector<16xf32>
    %get3A_453 = arith.constant 0 : i32
    %get3A_454 = arith.index_cast %get3A_453 : i32 to index
    %get3A_455 = arith.constant 720 : index
    %get3A_456 = tpu.vector_load %arg8[%get3A_454, %get3A_455] {strides = array<i32>} : memref<1x1024xf32, #tpu.memory_space<vmem>>, vector<1x16xf32>,
    %get3A_457 = vector.shape_cast %get3A_456 : vector<1x16xf32> to vector<16xf32>
    %mul3A_458 = arith.mulf %get3A_457, %get3A_457 : vector<16xf32>
    %add3A_459 = arith.addf %add3A_431, %mul3A_458 : vector<16xf32>
    %get3A_460 = arith.constant 0 : i32
    %get3A_461 = arith.index_cast %get3A_460 : i32 to index
    %get3A_462 = arith.constant 736 : index
    %get3A_463 = tpu.vector_load %arg8[%get3A_461, %get3A_462] {strides = array<i32>} : memref<1x1024xf32, #tpu.memory_space<vmem>>, vector<1x16xf32>,
    %get3A_464 = vector.shape_cast %get3A_463 : vector<1x16xf32> to vector<16xf32>
    %mul3A_465 = arith.mulf %get3A_464, %get3A_464 : vector<16xf32>
    %add3A_466 = arith.addf %add3A_438, %mul3A_465 : vector<16xf32>
    %get3A_467 = arith.constant 0 : i32
    %get3A_468 = arith.index_cast %get3A_467 : i32 to index
    %get3A_469 = arith.constant 752 : index
    %get3A_470 = tpu.vector_load %arg8[%get3A_468, %get3A_469] {strides = array<i32>} : memref<1x1024xf32, #tpu.memory_space<vmem>>, vector<1x16xf32>,
    %get3A_471 = vector.shape_cast %get3A_470 : vector<1x16xf32> to vector<16xf32>
    %mul3A_472 = arith.mulf %get3A_471, %get3A_471 : vector<16xf32>
    %add3A_473 = arith.addf %add3A_445, %mul3A_472 : vector<16xf32>
    %dma_wait3A_474 = arith.constant 0 : i32
    %dma_wait3A_475 = arith.constant 768 : i32
    %dma_wait3A_476 = tpu.memref_slice %arg8[%dma_wait3A_474, %dma_wait3A_475] : memref<1x1024xf32, #tpu.memory_space<vmem>> -> memref<1x256xf32, #tpu.memory_space<vmem>>
    %dma_wait3A_477 = arith.constant 768 : i32
    %dma_wait3A_478 = tpu.memref_slice %arg2[%squeeze3A, %dma_wait3A_477] : memref<32768x1024xf32, #tpu.memory_space<hbm>> -> memref<1x256xf32, #tpu.memory_space<hbm>>
    %dma_wait3A_479 = arith.constant 0 : i32
    %dma_wait3A_480 = arith.constant 768 : i32
    %dma_wait3A_481 = tpu.memref_slice %arg8[%dma_wait3A_479, %dma_wait3A_480] : memref<1x1024xf32, #tpu.memory_space<vmem>> -> memref<1x256xf32, #tpu.memory_space<vmem>>
    %dma_wait3A_482 = arith.constant 768 : i32
    %dma_wait3A_483 = tpu.memref_slice %arg2[%squeeze3A, %dma_wait3A_482] : memref<32768x1024xf32, #tpu.memory_space<hbm>> -> memref<1x256xf32, #tpu.memory_space<hbm>>
    tpu.wait_dma2 semaphore(%arg13 : memref<!tpu.dma_semaphore, #tpu.memory_space<semaphore_mem>>) src(%dma_wait3A_483 : memref<1x256xf32, #tpu.memory_space<hbm>>) dst(%dma_wait3A_481 : memref<1x256xf32, #tpu.memory_space<vmem>>)
    %get3A_484 = arith.constant 0 : i32
    %get3A_485 = arith.index_cast %get3A_484 : i32 to index
    %get3A_486 = arith.constant 768 : index
    %get3A_487 = tpu.vector_load %arg8[%get3A_485, %get3A_486] {strides = array<i32>} : memref<1x1024xf32, #tpu.memory_space<vmem>>, vector<1x16xf32>,
    %get3A_488 = vector.shape_cast %get3A_487 : vector<1x16xf32> to vector<16xf32>
    %mul3A_489 = arith.mulf %get3A_488, %get3A_488 : vector<16xf32>
    %add3A_490 = arith.addf %add3A_452, %mul3A_489 : vector<16xf32>
    %get3A_491 = arith.constant 0 : i32
    %get3A_492 = arith.index_cast %get3A_491 : i32 to index
    %get3A_493 = arith.constant 784 : index
    %get3A_494 = tpu.vector_load %arg8[%get3A_492, %get3A_493] {strides = array<i32>} : memref<1x1024xf32, #tpu.memory_space<vmem>>, vector<1x16xf32>,
    %get3A_495 = vector.shape_cast %get3A_494 : vector<1x16xf32> to vector<16xf32>
    %mul3A_496 = arith.mulf %get3A_495, %get3A_495 : vector<16xf32>
    %add3A_497 = arith.addf %add3A_459, %mul3A_496 : vector<16xf32>
    %get3A_498 = arith.constant 0 : i32
    %get3A_499 = arith.index_cast %get3A_498 : i32 to index
    %get3A_500 = arith.constant 800 : index
    %get3A_501 = tpu.vector_load %arg8[%get3A_499, %get3A_500] {strides = array<i32>} : memref<1x1024xf32, #tpu.memory_space<vmem>>, vector<1x16xf32>,
    %get3A_502 = vector.shape_cast %get3A_501 : vector<1x16xf32> to vector<16xf32>
    %mul3A_503 = arith.mulf %get3A_502, %get3A_502 : vector<16xf32>
    %add3A_504 = arith.addf %add3A_466, %mul3A_503 : vector<16xf32>
    %get3A_505 = arith.constant 0 : i32
    %get3A_506 = arith.index_cast %get3A_505 : i32 to index
    %get3A_507 = arith.constant 816 : index
    %get3A_508 = tpu.vector_load %arg8[%get3A_506, %get3A_507] {strides = array<i32>} : memref<1x1024xf32, #tpu.memory_space<vmem>>, vector<1x16xf32>,
    %get3A_509 = vector.shape_cast %get3A_508 : vector<1x16xf32> to vector<16xf32>
    %mul3A_510 = arith.mulf %get3A_509, %get3A_509 : vector<16xf32>
    %add3A_511 = arith.addf %add3A_473, %mul3A_510 : vector<16xf32>
    %get3A_512 = arith.constant 0 : i32
    %get3A_513 = arith.index_cast %get3A_512 : i32 to index
    %get3A_514 = arith.constant 832 : index
    %get3A_515 = tpu.vector_load %arg8[%get3A_513, %get3A_514] {strides = array<i32>} : memref<1x1024xf32, #tpu.memory_space<vmem>>, vector<1x16xf32>,
    %get3A_516 = vector.shape_cast %get3A_515 : vector<1x16xf32> to vector<16xf32>
    %mul3A_517 = arith.mulf %get3A_516, %get3A_516 : vector<16xf32>
    %add3A_518 = arith.addf %add3A_490, %mul3A_517 : vector<16xf32>
    %get3A_519 = arith.constant 0 : i32
    %get3A_520 = arith.index_cast %get3A_519 : i32 to index
    %get3A_521 = arith.constant 848 : index
    %get3A_522 = tpu.vector_load %arg8[%get3A_520, %get3A_521] {strides = array<i32>} : memref<1x1024xf32, #tpu.memory_space<vmem>>, vector<1x16xf32>,
    %get3A_523 = vector.shape_cast %get3A_522 : vector<1x16xf32> to vector<16xf32>
    %mul3A_524 = arith.mulf %get3A_523, %get3A_523 : vector<16xf32>
    %add3A_525 = arith.addf %add3A_497, %mul3A_524 : vector<16xf32>
    %get3A_526 = arith.constant 0 : i32
    %get3A_527 = arith.index_cast %get3A_526 : i32 to index
    %get3A_528 = arith.constant 864 : index
    %get3A_529 = tpu.vector_load %arg8[%get3A_527, %get3A_528] {strides = array<i32>} : memref<1x1024xf32, #tpu.memory_space<vmem>>, vector<1x16xf32>,
    %get3A_530 = vector.shape_cast %get3A_529 : vector<1x16xf32> to vector<16xf32>
    %mul3A_531 = arith.mulf %get3A_530, %get3A_530 : vector<16xf32>
    %add3A_532 = arith.addf %add3A_504, %mul3A_531 : vector<16xf32>
    %get3A_533 = arith.constant 0 : i32
    %get3A_534 = arith.index_cast %get3A_533 : i32 to index
    %get3A_535 = arith.constant 880 : index
    %get3A_536 = tpu.vector_load %arg8[%get3A_534, %get3A_535] {strides = array<i32>} : memref<1x1024xf32, #tpu.memory_space<vmem>>, vector<1x16xf32>,
    %get3A_537 = vector.shape_cast %get3A_536 : vector<1x16xf32> to vector<16xf32>
    %mul3A_538 = arith.mulf %get3A_537, %get3A_537 : vector<16xf32>
    %add3A_539 = arith.addf %add3A_511, %mul3A_538 : vector<16xf32>
    %get3A_540 = arith.constant 0 : i32
    %get3A_541 = arith.index_cast %get3A_540 : i32 to index
    %get3A_542 = arith.constant 896 : index
    %get3A_543 = tpu.vector_load %arg8[%get3A_541, %get3A_542] {strides = array<i32>} : memref<1x1024xf32, #tpu.memory_space<vmem>>, vector<1x16xf32>,
    %get3A_544 = vector.shape_cast %get3A_543 : vector<1x16xf32> to vector<16xf32>
    %mul3A_545 = arith.mulf %get3A_544, %get3A_544 : vector<16xf32>
    %add3A_546 = arith.addf %add3A_518, %mul3A_545 : vector<16xf32>
    %get3A_547 = arith.constant 0 : i32
    %get3A_548 = arith.index_cast %get3A_547 : i32 to index
    %get3A_549 = arith.constant 912 : index
    %get3A_550 = tpu.vector_load %arg8[%get3A_548, %get3A_549] {strides = array<i32>} : memref<1x1024xf32, #tpu.memory_space<vmem>>, vector<1x16xf32>,
    %get3A_551 = vector.shape_cast %get3A_550 : vector<1x16xf32> to vector<16xf32>
    %mul3A_552 = arith.mulf %get3A_551, %get3A_551 : vector<16xf32>
    %add3A_553 = arith.addf %add3A_525, %mul3A_552 : vector<16xf32>
    %get3A_554 = arith.constant 0 : i32
    %get3A_555 = arith.index_cast %get3A_554 : i32 to index
    %get3A_556 = arith.constant 928 : index
    %get3A_557 = tpu.vector_load %arg8[%get3A_555, %get3A_556] {strides = array<i32>} : memref<1x1024xf32, #tpu.memory_space<vmem>>, vector<1x16xf32>,
    %get3A_558 = vector.shape_cast %get3A_557 : vector<1x16xf32> to vector<16xf32>
    %mul3A_559 = arith.mulf %get3A_558, %get3A_558 : vector<16xf32>
    %add3A_560 = arith.addf %add3A_532, %mul3A_559 : vector<16xf32>
    %get3A_561 = arith.constant 0 : i32
    %get3A_562 = arith.index_cast %get3A_561 : i32 to index
    %get3A_563 = arith.constant 944 : index
    %get3A_564 = tpu.vector_load %arg8[%get3A_562, %get3A_563] {strides = array<i32>} : memref<1x1024xf32, #tpu.memory_space<vmem>>, vector<1x16xf32>,
    %get3A_565 = vector.shape_cast %get3A_564 : vector<1x16xf32> to vector<16xf32>
    %mul3A_566 = arith.mulf %get3A_565, %get3A_565 : vector<16xf32>
    %add3A_567 = arith.addf %add3A_539, %mul3A_566 : vector<16xf32>
    %get3A_568 = arith.constant 0 : i32
    %get3A_569 = arith.index_cast %get3A_568 : i32 to index
    %get3A_570 = arith.constant 960 : index
    %get3A_571 = tpu.vector_load %arg8[%get3A_569, %get3A_570] {strides = array<i32>} : memref<1x1024xf32, #tpu.memory_space<vmem>>, vector<1x16xf32>,
    %get3A_572 = vector.shape_cast %get3A_571 : vector<1x16xf32> to vector<16xf32>
    %mul3A_573 = arith.mulf %get3A_572, %get3A_572 : vector<16xf32>
    %add3A_574 = arith.addf %add3A_546, %mul3A_573 : vector<16xf32>
    %get3A_575 = arith.constant 0 : i32
    %get3A_576 = arith.index_cast %get3A_575 : i32 to index
    %get3A_577 = arith.constant 976 : index
    %get3A_578 = tpu.vector_load %arg8[%get3A_576, %get3A_577] {strides = array<i32>} : memref<1x1024xf32, #tpu.memory_space<vmem>>, vector<1x16xf32>,
    %get3A_579 = vector.shape_cast %get3A_578 : vector<1x16xf32> to vector<16xf32>
    %mul3A_580 = arith.mulf %get3A_579, %get3A_579 : vector<16xf32>
    %add3A_581 = arith.addf %add3A_553, %mul3A_580 : vector<16xf32>
    %get3A_582 = arith.constant 0 : i32
    %get3A_583 = arith.index_cast %get3A_582 : i32 to index
    %get3A_584 = arith.constant 992 : index
    %get3A_585 = tpu.vector_load %arg8[%get3A_583, %get3A_584] {strides = array<i32>} : memref<1x1024xf32, #tpu.memory_space<vmem>>, vector<1x16xf32>,
    %get3A_586 = vector.shape_cast %get3A_585 : vector<1x16xf32> to vector<16xf32>
    %mul3A_587 = arith.mulf %get3A_586, %get3A_586 : vector<16xf32>
    %add3A_588 = arith.addf %add3A_560, %mul3A_587 : vector<16xf32>
    %get3A_589 = arith.constant 0 : i32
    %get3A_590 = arith.index_cast %get3A_589 : i32 to index
    %get3A_591 = arith.constant 1008 : index
    %get3A_592 = tpu.vector_load %arg8[%get3A_590, %get3A_591] {strides = array<i32>} : memref<1x1024xf32, #tpu.memory_space<vmem>>, vector<1x16xf32>,
    %get3A_593 = vector.shape_cast %get3A_592 : vector<1x16xf32> to vector<16xf32>
    %mul3A_594 = arith.mulf %get3A_593, %get3A_593 : vector<16xf32>
    %add3A_595 = arith.addf %add3A_567, %mul3A_594 : vector<16xf32>
    %add3A_596 = arith.addf %add3A_574, %add3A_581 : vector<16xf32>
    %add3A_597 = arith.addf %add3A_588, %add3A_595 : vector<16xf32>
    %add3A_598 = arith.addf %add3A_596, %add3A_597 : vector<16xf32>
    %swap3A_599 = arith.constant 0 : index
    %swap3A_600 = tpu.vector_load %arg7[%swap3A_599] {strides = array<i32>} : memref<32xf32, #tpu.memory_space<vmem>>, vector<16xf32>,
    %swap3A_601 = vector.shape_cast %swap3A_600 : vector<16xf32> to vector<16xf32>
    %swap3A_602 = vector.shape_cast %add3A_598 : vector<16xf32> to vector<16xf32>
    tpu.vector_store %arg7[%swap3A_599], %swap3A_602 {strides = array<i32>} : memref<32xf32, #tpu.memory_space<vmem>>, vector<16xf32>,
    %get3A_603 = arith.constant 8 : index
    %get3A_604 = tpu.vector_load %arg7[%get3A_603] {strides = array<i32>} : memref<32xf32, #tpu.memory_space<vmem>>, vector<16xf32>,
    %get3A_605 = vector.shape_cast %get3A_604 : vector<16xf32> to vector<16xf32>
    %add3A_606 = arith.addf %add3A_598, %get3A_605 : vector<16xf32>
    %swap3A_607 = arith.constant 0 : index
    %swap3A_608 = tpu.vector_load %arg7[%swap3A_607] {strides = array<i32>} : memref<32xf32, #tpu.memory_space<vmem>>, vector<16xf32>,
    %swap3A_609 = vector.shape_cast %swap3A_608 : vector<16xf32> to vector<16xf32>
    %swap3A_610 = vector.shape_cast %add3A_606 : vector<16xf32> to vector<16xf32>
    tpu.vector_store %arg7[%swap3A_607], %swap3A_610 {strides = array<i32>} : memref<32xf32, #tpu.memory_space<vmem>>, vector<16xf32>,
    %get3A_611 = arith.constant 4 : index
    %get3A_612 = tpu.vector_load %arg7[%get3A_611] {strides = array<i32>} : memref<32xf32, #tpu.memory_space<vmem>>, vector<16xf32>,
    %get3A_613 = vector.shape_cast %get3A_612 : vector<16xf32> to vector<16xf32>
    %add3A_614 = arith.addf %add3A_606, %get3A_613 : vector<16xf32>
    %swap3A_615 = arith.constant 0 : index
    %swap3A_616 = tpu.vector_load %arg7[%swap3A_615] {strides = array<i32>} : memref<32xf32, #tpu.memory_space<vmem>>, vector<16xf32>,
    %swap3A_617 = vector.shape_cast %swap3A_616 : vector<16xf32> to vector<16xf32>
    %swap3A_618 = vector.shape_cast %add3A_614 : vector<16xf32> to vector<16xf32>
    tpu.vector_store %arg7[%swap3A_615], %swap3A_618 {strides = array<i32>} : memref<32xf32, #tpu.memory_space<vmem>>, vector<16xf32>,
    %get3A_619 = arith.constant 2 : index
    %get3A_620 = tpu.vector_load %arg7[%get3A_619] {strides = array<i32>} : memref<32xf32, #tpu.memory_space<vmem>>, vector<16xf32>,
    %get3A_621 = vector.shape_cast %get3A_620 : vector<16xf32> to vector<16xf32>
    %add3A_622 = arith.addf %add3A_614, %get3A_621 : vector<16xf32>
    %swap3A_623 = arith.constant 0 : index
    %swap3A_624 = tpu.vector_load %arg7[%swap3A_623] {strides = array<i32>} : memref<32xf32, #tpu.memory_space<vmem>>, vector<16xf32>,
    %swap3A_625 = vector.shape_cast %swap3A_624 : vector<16xf32> to vector<16xf32>
    %swap3A_626 = vector.shape_cast %add3A_622 : vector<16xf32> to vector<16xf32>
    tpu.vector_store %arg7[%swap3A_623], %swap3A_626 {strides = array<i32>} : memref<32xf32, #tpu.memory_space<vmem>>, vector<16xf32>,
    %get3A_627 = arith.constant 1 : index
    %get3A_628 = tpu.vector_load %arg7[%get3A_627] {strides = array<i32>} : memref<32xf32, #tpu.memory_space<vmem>>, vector<16xf32>,
    %get3A_629 = vector.shape_cast %get3A_628 : vector<16xf32> to vector<16xf32>
    %add3A_630 = arith.addf %add3A_622, %get3A_629 : vector<16xf32>
    %slice3A_631 = vector.extract_strided_slice %add3A_630 {offsets = [0], sizes = [1], strides = [1]} : vector<16xf32> to vector<1xf32>
    %squeeze3A_632 = vector.extract %slice3A_631[0] : f32 from vector<1xf32>
    %max3A = arith.constant 1.000000e-24 : f32
    %max3A_633 = arith.maximumf %squeeze3A_632, %max3A : f32
    %bitcast_convert_type3A = arith.bitcast %max3A_633 : f32 to i32
    %shift_right_arithmetic3A = arith.constant 1 : i32
    %shift_right_arithmetic3A_634 = arith.shrsi %bitcast_convert_type3A, %shift_right_arithmetic3A : i32
    %sub3A_635 = arith.constant 1597463007 : i32
    %sub3A_636 = arith.subi %sub3A_635, %shift_right_arithmetic3A_634 : i32
    %bitcast_convert_type3A_637 = arith.bitcast %sub3A_636 : i32 to f32
    %mul3A_638 = arith.constant 5.000000e-01 : f32
    %mul3A_639 = arith.mulf %mul3A_638, %max3A_633 : f32
    %mul3A_640 = arith.mulf %mul3A_639, %bitcast_convert_type3A_637 : f32
    %mul3A_641 = arith.mulf %mul3A_640, %bitcast_convert_type3A_637 : f32
    %sub3A_642 = arith.constant 1.500000e+00 : f32
    %sub3A_643 = arith.subf %sub3A_642, %mul3A_641 : f32
    %mul3A_644 = arith.mulf %bitcast_convert_type3A_637, %sub3A_643 : f32
    %mul3A_645 = arith.constant 5.000000e-01 : f32
    %mul3A_646 = arith.mulf %mul3A_645, %max3A_633 : f32
    %mul3A_647 = arith.mulf %mul3A_646, %mul3A_644 : f32
    %mul3A_648 = arith.mulf %mul3A_647, %mul3A_644 : f32
    %sub3A_649 = arith.constant 1.500000e+00 : f32
    %sub3A_650 = arith.subf %sub3A_649, %mul3A_648 : f32
    %mul3A_651 = arith.mulf %mul3A_644, %sub3A_650 : f32
    %mul3A_652 = arith.constant 5.000000e-01 : f32
    %mul3A_653 = arith.mulf %mul3A_652, %max3A_633 : f32
    %mul3A_654 = arith.mulf %mul3A_653, %mul3A_651 : f32
    %mul3A_655 = arith.mulf %mul3A_654, %mul3A_651 : f32
    %sub3A_656 = arith.constant 1.500000e+00 : f32
    %sub3A_657 = arith.subf %sub3A_656, %mul3A_655 : f32
    %mul3A_658 = arith.mulf %mul3A_651, %sub3A_657 : f32
    %broadcast_in_dim3A_659 = vector.broadcast %mul3A_658 : f32 to vector<16xf32>
    %get3A_660 = arith.constant 0 : i32
    %get3A_661 = arith.index_cast %get3A_660 : i32 to index
    %get3A_662 = arith.constant 0 : index
    %get3A_663 = tpu.vector_load %arg8[%get3A_661, %get3A_662] {strides = array<i32>} : memref<1x1024xf32, #tpu.memory_space<vmem>>, vector<1x16xf32>,
    %get3A_664 = vector.shape_cast %get3A_663 : vector<1x16xf32> to vector<16xf32>
    %mul3A_665 = arith.mulf %get3A_664, %broadcast_in_dim3A_659 : vector<16xf32>
    %swap3A_666 = arith.constant 0 : i32
    %swap3A_667 = arith.index_cast %swap3A_666 : i32 to index
    %swap3A_668 = arith.constant 0 : index
    %swap3A_669 = tpu.vector_load %arg8[%swap3A_667, %swap3A_668] {strides = array<i32>} : memref<1x1024xf32, #tpu.memory_space<vmem>>, vector<1x16xf32>,
    %swap3A_670 = vector.shape_cast %swap3A_669 : vector<1x16xf32> to vector<16xf32>
    %swap3A_671 = vector.shape_cast %mul3A_665 : vector<16xf32> to vector<1x16xf32>
    tpu.vector_store %arg8[%swap3A_667, %swap3A_668], %swap3A_671 {strides = array<i32>} : memref<1x1024xf32, #tpu.memory_space<vmem>>, vector<1x16xf32>,
    %get3A_672 = arith.constant 0 : i32
    %get3A_673 = arith.index_cast %get3A_672 : i32 to index
    %get3A_674 = arith.constant 16 : index
    %get3A_675 = tpu.vector_load %arg8[%get3A_673, %get3A_674] {strides = array<i32>} : memref<1x1024xf32, #tpu.memory_space<vmem>>, vector<1x16xf32>,
    %get3A_676 = vector.shape_cast %get3A_675 : vector<1x16xf32> to vector<16xf32>
    %mul3A_677 = arith.mulf %get3A_676, %broadcast_in_dim3A_659 : vector<16xf32>
    %swap3A_678 = arith.constant 0 : i32
    %swap3A_679 = arith.index_cast %swap3A_678 : i32 to index
    %swap3A_680 = arith.constant 16 : index
    %swap3A_681 = tpu.vector_load %arg8[%swap3A_679, %swap3A_680] {strides = array<i32>} : memref<1x1024xf32, #tpu.memory_space<vmem>>, vector<1x16xf32>,
    %swap3A_682 = vector.shape_cast %swap3A_681 : vector<1x16xf32> to vector<16xf32>
    %swap3A_683 = vector.shape_cast %mul3A_677 : vector<16xf32> to vector<1x16xf32>
    tpu.vector_store %arg8[%swap3A_679, %swap3A_680], %swap3A_683 {strides = array<i32>} : memref<1x1024xf32, #tpu.memory_space<vmem>>, vector<1x16xf32>,
    %get3A_684 = arith.constant 0 : i32
    %get3A_685 = arith.index_cast %get3A_684 : i32 to index
    %get3A_686 = arith.constant 32 : index
    %get3A_687 = tpu.vector_load %arg8[%get3A_685, %get3A_686] {strides = array<i32>} : memref<1x1024xf32, #tpu.memory_space<vmem>>, vector<1x16xf32>,
    %get3A_688 = vector.shape_cast %get3A_687 : vector<1x16xf32> to vector<16xf32>
    %mul3A_689 = arith.mulf %get3A_688, %broadcast_in_dim3A_659 : vector<16xf32>
    %swap3A_690 = arith.constant 0 : i32
    %swap3A_691 = arith.index_cast %swap3A_690 : i32 to index
    %swap3A_692 = arith.constant 32 : index
    %swap3A_693 = tpu.vector_load %arg8[%swap3A_691, %swap3A_692] {strides = array<i32>} : memref<1x1024xf32, #tpu.memory_space<vmem>>, vector<1x16xf32>,
    %swap3A_694 = vector.shape_cast %swap3A_693 : vector<1x16xf32> to vector<16xf32>
    %swap3A_695 = vector.shape_cast %mul3A_689 : vector<16xf32> to vector<1x16xf32>
    tpu.vector_store %arg8[%swap3A_691, %swap3A_692], %swap3A_695 {strides = array<i32>} : memref<1x1024xf32, #tpu.memory_space<vmem>>, vector<1x16xf32>,
    %get3A_696 = arith.constant 0 : i32
    %get3A_697 = arith.index_cast %get3A_696 : i32 to index
    %get3A_698 = arith.constant 48 : index
    %get3A_699 = tpu.vector_load %arg8[%get3A_697, %get3A_698] {strides = array<i32>} : memref<1x1024xf32, #tpu.memory_space<vmem>>, vector<1x16xf32>,
    %get3A_700 = vector.shape_cast %get3A_699 : vector<1x16xf32> to vector<16xf32>
    %mul3A_701 = arith.mulf %get3A_700, %broadcast_in_dim3A_659 : vector<16xf32>
    %swap3A_702 = arith.constant 0 : i32
    %swap3A_703 = arith.index_cast %swap3A_702 : i32 to index
    %swap3A_704 = arith.constant 48 : index
    %swap3A_705 = tpu.vector_load %arg8[%swap3A_703, %swap3A_704] {strides = array<i32>} : memref<1x1024xf32, #tpu.memory_space<vmem>>, vector<1x16xf32>,
    %swap3A_706 = vector.shape_cast %swap3A_705 : vector<1x16xf32> to vector<16xf32>
    %swap3A_707 = vector.shape_cast %mul3A_701 : vector<16xf32> to vector<1x16xf32>
    tpu.vector_store %arg8[%swap3A_703, %swap3A_704], %swap3A_707 {strides = array<i32>} : memref<1x1024xf32, #tpu.memory_space<vmem>>, vector<1x16xf32>,
    %get3A_708 = arith.constant 0 : i32
    %get3A_709 = arith.index_cast %get3A_708 : i32 to index
    %get3A_710 = arith.constant 64 : index
    %get3A_711 = tpu.vector_load %arg8[%get3A_709, %get3A_710] {strides = array<i32>} : memref<1x1024xf32, #tpu.memory_space<vmem>>, vector<1x16xf32>,
    %get3A_712 = vector.shape_cast %get3A_711 : vector<1x16xf32> to vector<16xf32>
    %mul3A_713 = arith.mulf %get3A_712, %broadcast_in_dim3A_659 : vector<16xf32>
    %swap3A_714 = arith.constant 0 : i32
    %swap3A_715 = arith.index_cast %swap3A_714 : i32 to index
    %swap3A_716 = arith.constant 64 : index
    %swap3A_717 = tpu.vector_load %arg8[%swap3A_715, %swap3A_716] {strides = array<i32>} : memref<1x1024xf32, #tpu.memory_space<vmem>>, vector<1x16xf32>,
    %swap3A_718 = vector.shape_cast %swap3A_717 : vector<1x16xf32> to vector<16xf32>
    %swap3A_719 = vector.shape_cast %mul3A_713 : vector<16xf32> to vector<1x16xf32>
    tpu.vector_store %arg8[%swap3A_715, %swap3A_716], %swap3A_719 {strides = array<i32>} : memref<1x1024xf32, #tpu.memory_space<vmem>>, vector<1x16xf32>,
    %get3A_720 = arith.constant 0 : i32
    %get3A_721 = arith.index_cast %get3A_720 : i32 to index
    %get3A_722 = arith.constant 80 : index
    %get3A_723 = tpu.vector_load %arg8[%get3A_721, %get3A_722] {strides = array<i32>} : memref<1x1024xf32, #tpu.memory_space<vmem>>, vector<1x16xf32>,
    %get3A_724 = vector.shape_cast %get3A_723 : vector<1x16xf32> to vector<16xf32>
    %mul3A_725 = arith.mulf %get3A_724, %broadcast_in_dim3A_659 : vector<16xf32>
    %swap3A_726 = arith.constant 0 : i32
    %swap3A_727 = arith.index_cast %swap3A_726 : i32 to index
    %swap3A_728 = arith.constant 80 : index
    %swap3A_729 = tpu.vector_load %arg8[%swap3A_727, %swap3A_728] {strides = array<i32>} : memref<1x1024xf32, #tpu.memory_space<vmem>>, vector<1x16xf32>,
    %swap3A_730 = vector.shape_cast %swap3A_729 : vector<1x16xf32> to vector<16xf32>
    %swap3A_731 = vector.shape_cast %mul3A_725 : vector<16xf32> to vector<1x16xf32>
    tpu.vector_store %arg8[%swap3A_727, %swap3A_728], %swap3A_731 {strides = array<i32>} : memref<1x1024xf32, #tpu.memory_space<vmem>>, vector<1x16xf32>,
    %get3A_732 = arith.constant 0 : i32
    %get3A_733 = arith.index_cast %get3A_732 : i32 to index
    %get3A_734 = arith.constant 96 : index
    %get3A_735 = tpu.vector_load %arg8[%get3A_733, %get3A_734] {strides = array<i32>} : memref<1x1024xf32, #tpu.memory_space<vmem>>, vector<1x16xf32>,
    %get3A_736 = vector.shape_cast %get3A_735 : vector<1x16xf32> to vector<16xf32>
    %mul3A_737 = arith.mulf %get3A_736, %broadcast_in_dim3A_659 : vector<16xf32>
    %swap3A_738 = arith.constant 0 : i32
    %swap3A_739 = arith.index_cast %swap3A_738 : i32 to index
    %swap3A_740 = arith.constant 96 : index
    %swap3A_741 = tpu.vector_load %arg8[%swap3A_739, %swap3A_740] {strides = array<i32>} : memref<1x1024xf32, #tpu.memory_space<vmem>>, vector<1x16xf32>,
    %swap3A_742 = vector.shape_cast %swap3A_741 : vector<1x16xf32> to vector<16xf32>
    %swap3A_743 = vector.shape_cast %mul3A_737 : vector<16xf32> to vector<1x16xf32>
    tpu.vector_store %arg8[%swap3A_739, %swap3A_740], %swap3A_743 {strides = array<i32>} : memref<1x1024xf32, #tpu.memory_space<vmem>>, vector<1x16xf32>,
    %get3A_744 = arith.constant 0 : i32
    %get3A_745 = arith.index_cast %get3A_744 : i32 to index
    %get3A_746 = arith.constant 112 : index
    %get3A_747 = tpu.vector_load %arg8[%get3A_745, %get3A_746] {strides = array<i32>} : memref<1x1024xf32, #tpu.memory_space<vmem>>, vector<1x16xf32>,
    %get3A_748 = vector.shape_cast %get3A_747 : vector<1x16xf32> to vector<16xf32>
    %mul3A_749 = arith.mulf %get3A_748, %broadcast_in_dim3A_659 : vector<16xf32>
    %swap3A_750 = arith.constant 0 : i32
    %swap3A_751 = arith.index_cast %swap3A_750 : i32 to index
    %swap3A_752 = arith.constant 112 : index
    %swap3A_753 = tpu.vector_load %arg8[%swap3A_751, %swap3A_752] {strides = array<i32>} : memref<1x1024xf32, #tpu.memory_space<vmem>>, vector<1x16xf32>,
    %swap3A_754 = vector.shape_cast %swap3A_753 : vector<1x16xf32> to vector<16xf32>
    %swap3A_755 = vector.shape_cast %mul3A_749 : vector<16xf32> to vector<1x16xf32>
    tpu.vector_store %arg8[%swap3A_751, %swap3A_752], %swap3A_755 {strides = array<i32>} : memref<1x1024xf32, #tpu.memory_space<vmem>>, vector<1x16xf32>,
    %get3A_756 = arith.constant 0 : i32
    %get3A_757 = arith.index_cast %get3A_756 : i32 to index
    %get3A_758 = arith.constant 128 : index
    %get3A_759 = tpu.vector_load %arg8[%get3A_757, %get3A_758] {strides = array<i32>} : memref<1x1024xf32, #tpu.memory_space<vmem>>, vector<1x16xf32>,
    %get3A_760 = vector.shape_cast %get3A_759 : vector<1x16xf32> to vector<16xf32>
    %mul3A_761 = arith.mulf %get3A_760, %broadcast_in_dim3A_659 : vector<16xf32>
    %swap3A_762 = arith.constant 0 : i32
    %swap3A_763 = arith.index_cast %swap3A_762 : i32 to index
    %swap3A_764 = arith.constant 128 : index
    %swap3A_765 = tpu.vector_load %arg8[%swap3A_763, %swap3A_764] {strides = array<i32>} : memref<1x1024xf32, #tpu.memory_space<vmem>>, vector<1x16xf32>,
    %swap3A_766 = vector.shape_cast %swap3A_765 : vector<1x16xf32> to vector<16xf32>
    %swap3A_767 = vector.shape_cast %mul3A_761 : vector<16xf32> to vector<1x16xf32>
    tpu.vector_store %arg8[%swap3A_763, %swap3A_764], %swap3A_767 {strides = array<i32>} : memref<1x1024xf32, #tpu.memory_space<vmem>>, vector<1x16xf32>,
    %get3A_768 = arith.constant 0 : i32
    %get3A_769 = arith.index_cast %get3A_768 : i32 to index
    %get3A_770 = arith.constant 144 : index
    %get3A_771 = tpu.vector_load %arg8[%get3A_769, %get3A_770] {strides = array<i32>} : memref<1x1024xf32, #tpu.memory_space<vmem>>, vector<1x16xf32>,
    %get3A_772 = vector.shape_cast %get3A_771 : vector<1x16xf32> to vector<16xf32>
    %mul3A_773 = arith.mulf %get3A_772, %broadcast_in_dim3A_659 : vector<16xf32>
    %swap3A_774 = arith.constant 0 : i32
    %swap3A_775 = arith.index_cast %swap3A_774 : i32 to index
    %swap3A_776 = arith.constant 144 : index
    %swap3A_777 = tpu.vector_load %arg8[%swap3A_775, %swap3A_776] {strides = array<i32>} : memref<1x1024xf32, #tpu.memory_space<vmem>>, vector<1x16xf32>,
    %swap3A_778 = vector.shape_cast %swap3A_777 : vector<1x16xf32> to vector<16xf32>
    %swap3A_779 = vector.shape_cast %mul3A_773 : vector<16xf32> to vector<1x16xf32>
    tpu.vector_store %arg8[%swap3A_775, %swap3A_776], %swap3A_779 {strides = array<i32>} : memref<1x1024xf32, #tpu.memory_space<vmem>>, vector<1x16xf32>,
    %get3A_780 = arith.constant 0 : i32
    %get3A_781 = arith.index_cast %get3A_780 : i32 to index
    %get3A_782 = arith.constant 160 : index
    %get3A_783 = tpu.vector_load %arg8[%get3A_781, %get3A_782] {strides = array<i32>} : memref<1x1024xf32, #tpu.memory_space<vmem>>, vector<1x16xf32>,
    %get3A_784 = vector.shape_cast %get3A_783 : vector<1x16xf32> to vector<16xf32>
    %mul3A_785 = arith.mulf %get3A_784, %broadcast_in_dim3A_659 : vector<16xf32>
    %swap3A_786 = arith.constant 0 : i32
    %swap3A_787 = arith.index_cast %swap3A_786 : i32 to index
    %swap3A_788 = arith.constant 160 : index
    %swap3A_789 = tpu.vector_load %arg8[%swap3A_787, %swap3A_788] {strides = array<i32>} : memref<1x1024xf32, #tpu.memory_space<vmem>>, vector<1x16xf32>,
    %swap3A_790 = vector.shape_cast %swap3A_789 : vector<1x16xf32> to vector<16xf32>
    %swap3A_791 = vector.shape_cast %mul3A_785 : vector<16xf32> to vector<1x16xf32>
    tpu.vector_store %arg8[%swap3A_787, %swap3A_788], %swap3A_791 {strides = array<i32>} : memref<1x1024xf32, #tpu.memory_space<vmem>>, vector<1x16xf32>,
    %get3A_792 = arith.constant 0 : i32
    %get3A_793 = arith.index_cast %get3A_792 : i32 to index
    %get3A_794 = arith.constant 176 : index
    %get3A_795 = tpu.vector_load %arg8[%get3A_793, %get3A_794] {strides = array<i32>} : memref<1x1024xf32, #tpu.memory_space<vmem>>, vector<1x16xf32>,
    %get3A_796 = vector.shape_cast %get3A_795 : vector<1x16xf32> to vector<16xf32>
    %mul3A_797 = arith.mulf %get3A_796, %broadcast_in_dim3A_659 : vector<16xf32>
    %swap3A_798 = arith.constant 0 : i32
    %swap3A_799 = arith.index_cast %swap3A_798 : i32 to index
    %swap3A_800 = arith.constant 176 : index
    %swap3A_801 = tpu.vector_load %arg8[%swap3A_799, %swap3A_800] {strides = array<i32>} : memref<1x1024xf32, #tpu.memory_space<vmem>>, vector<1x16xf32>,
    %swap3A_802 = vector.shape_cast %swap3A_801 : vector<1x16xf32> to vector<16xf32>
    %swap3A_803 = vector.shape_cast %mul3A_797 : vector<16xf32> to vector<1x16xf32>
    tpu.vector_store %arg8[%swap3A_799, %swap3A_800], %swap3A_803 {strides = array<i32>} : memref<1x1024xf32, #tpu.memory_space<vmem>>, vector<1x16xf32>,
    %get3A_804 = arith.constant 0 : i32
    %get3A_805 = arith.index_cast %get3A_804 : i32 to index
    %get3A_806 = arith.constant 192 : index
    %get3A_807 = tpu.vector_load %arg8[%get3A_805, %get3A_806] {strides = array<i32>} : memref<1x1024xf32, #tpu.memory_space<vmem>>, vector<1x16xf32>,
    %get3A_808 = vector.shape_cast %get3A_807 : vector<1x16xf32> to vector<16xf32>
    %mul3A_809 = arith.mulf %get3A_808, %broadcast_in_dim3A_659 : vector<16xf32>
    %swap3A_810 = arith.constant 0 : i32
    %swap3A_811 = arith.index_cast %swap3A_810 : i32 to index
    %swap3A_812 = arith.constant 192 : index
    %swap3A_813 = tpu.vector_load %arg8[%swap3A_811, %swap3A_812] {strides = array<i32>} : memref<1x1024xf32, #tpu.memory_space<vmem>>, vector<1x16xf32>,
    %swap3A_814 = vector.shape_cast %swap3A_813 : vector<1x16xf32> to vector<16xf32>
    %swap3A_815 = vector.shape_cast %mul3A_809 : vector<16xf32> to vector<1x16xf32>
    tpu.vector_store %arg8[%swap3A_811, %swap3A_812], %swap3A_815 {strides = array<i32>} : memref<1x1024xf32, #tpu.memory_space<vmem>>, vector<1x16xf32>,
    %get3A_816 = arith.constant 0 : i32
    %get3A_817 = arith.index_cast %get3A_816 : i32 to index
    %get3A_818 = arith.constant 208 : index
    %get3A_819 = tpu.vector_load %arg8[%get3A_817, %get3A_818] {strides = array<i32>} : memref<1x1024xf32, #tpu.memory_space<vmem>>, vector<1x16xf32>,
    %get3A_820 = vector.shape_cast %get3A_819 : vector<1x16xf32> to vector<16xf32>
    %mul3A_821 = arith.mulf %get3A_820, %broadcast_in_dim3A_659 : vector<16xf32>
    %swap3A_822 = arith.constant 0 : i32
    %swap3A_823 = arith.index_cast %swap3A_822 : i32 to index
    %swap3A_824 = arith.constant 208 : index
    %swap3A_825 = tpu.vector_load %arg8[%swap3A_823, %swap3A_824] {strides = array<i32>} : memref<1x1024xf32, #tpu.memory_space<vmem>>, vector<1x16xf32>,
    %swap3A_826 = vector.shape_cast %swap3A_825 : vector<1x16xf32> to vector<16xf32>
    %swap3A_827 = vector.shape_cast %mul3A_821 : vector<16xf32> to vector<1x16xf32>
    tpu.vector_store %arg8[%swap3A_823, %swap3A_824], %swap3A_827 {strides = array<i32>} : memref<1x1024xf32, #tpu.memory_space<vmem>>, vector<1x16xf32>,
    %get3A_828 = arith.constant 0 : i32
    %get3A_829 = arith.index_cast %get3A_828 : i32 to index
    %get3A_830 = arith.constant 224 : index
    %get3A_831 = tpu.vector_load %arg8[%get3A_829, %get3A_830] {strides = array<i32>} : memref<1x1024xf32, #tpu.memory_space<vmem>>, vector<1x16xf32>,
    %get3A_832 = vector.shape_cast %get3A_831 : vector<1x16xf32> to vector<16xf32>
    %mul3A_833 = arith.mulf %get3A_832, %broadcast_in_dim3A_659 : vector<16xf32>
    %swap3A_834 = arith.constant 0 : i32
    %swap3A_835 = arith.index_cast %swap3A_834 : i32 to index
    %swap3A_836 = arith.constant 224 : index
    %swap3A_837 = tpu.vector_load %arg8[%swap3A_835, %swap3A_836] {strides = array<i32>} : memref<1x1024xf32, #tpu.memory_space<vmem>>, vector<1x16xf32>,
    %swap3A_838 = vector.shape_cast %swap3A_837 : vector<1x16xf32> to vector<16xf32>
    %swap3A_839 = vector.shape_cast %mul3A_833 : vector<16xf32> to vector<1x16xf32>
    tpu.vector_store %arg8[%swap3A_835, %swap3A_836], %swap3A_839 {strides = array<i32>} : memref<1x1024xf32, #tpu.memory_space<vmem>>, vector<1x16xf32>,
    %get3A_840 = arith.constant 0 : i32
    %get3A_841 = arith.index_cast %get3A_840 : i32 to index
    %get3A_842 = arith.constant 240 : index
    %get3A_843 = tpu.vector_load %arg8[%get3A_841, %get3A_842] {strides = array<i32>} : memref<1x1024xf32, #tpu.memory_space<vmem>>, vector<1x16xf32>,
    %get3A_844 = vector.shape_cast %get3A_843 : vector<1x16xf32> to vector<16xf32>
    %mul3A_845 = arith.mulf %get3A_844, %broadcast_in_dim3A_659 : vector<16xf32>
    %swap3A_846 = arith.constant 0 : i32
    %swap3A_847 = arith.index_cast %swap3A_846 : i32 to index
    %swap3A_848 = arith.constant 240 : index
    %swap3A_849 = tpu.vector_load %arg8[%swap3A_847, %swap3A_848] {strides = array<i32>} : memref<1x1024xf32, #tpu.memory_space<vmem>>, vector<1x16xf32>,
    %swap3A_850 = vector.shape_cast %swap3A_849 : vector<1x16xf32> to vector<16xf32>
    %swap3A_851 = vector.shape_cast %mul3A_845 : vector<16xf32> to vector<1x16xf32>
    tpu.vector_store %arg8[%swap3A_847, %swap3A_848], %swap3A_851 {strides = array<i32>} : memref<1x1024xf32, #tpu.memory_space<vmem>>, vector<1x16xf32>,
    %dma_start3A_852 = arith.constant 0 : i32
    %dma_start3A_853 = arith.constant 0 : i32
    %dma_start3A_854 = tpu.memref_slice %arg8[%dma_start3A_852, %dma_start3A_853] : memref<1x1024xf32, #tpu.memory_space<vmem>> -> memref<1x256xf32, #tpu.memory_space<vmem>>
    %dma_start3A_855 = arith.constant 0 : i32
    %dma_start3A_856 = tpu.memref_slice %arg4[%arg1, %dma_start3A_855] : memref<16x1024xf32, #tpu.memory_space<hbm>> -> memref<1x256xf32, #tpu.memory_space<hbm>>
    %dma_start3A_857 = arith.constant 0 : i32
    %dma_start3A_858 = tpu.memref_slice %arg4[%arg1, %dma_start3A_857] : memref<16x1024xf32, #tpu.memory_space<hbm>> -> memref<1x256xf32, #tpu.memory_space<hbm>>
    %dma_start3A_859 = arith.constant 0 : i32
    %dma_start3A_860 = arith.constant 0 : i32
    %dma_start3A_861 = tpu.memref_slice %arg8[%dma_start3A_859, %dma_start3A_860] : memref<1x1024xf32, #tpu.memory_space<vmem>> -> memref<1x256xf32, #tpu.memory_space<vmem>>
    tpu.enqueue_dma source(%dma_start3A_861 : memref<1x256xf32, #tpu.memory_space<vmem>>) target(%dma_start3A_858 : memref<1x256xf32, #tpu.memory_space<hbm>>) target_semaphore(%arg14 : memref<!tpu.dma_semaphore, #tpu.memory_space<semaphore_mem>>)
    %get3A_862 = arith.constant 0 : i32
    %get3A_863 = arith.index_cast %get3A_862 : i32 to index
    %get3A_864 = arith.constant 256 : index
    %get3A_865 = tpu.vector_load %arg8[%get3A_863, %get3A_864] {strides = array<i32>} : memref<1x1024xf32, #tpu.memory_space<vmem>>, vector<1x16xf32>,
    %get3A_866 = vector.shape_cast %get3A_865 : vector<1x16xf32> to vector<16xf32>
    %mul3A_867 = arith.mulf %get3A_866, %broadcast_in_dim3A_659 : vector<16xf32>
    %swap3A_868 = arith.constant 0 : i32
    %swap3A_869 = arith.index_cast %swap3A_868 : i32 to index
    %swap3A_870 = arith.constant 256 : index
    %swap3A_871 = tpu.vector_load %arg8[%swap3A_869, %swap3A_870] {strides = array<i32>} : memref<1x1024xf32, #tpu.memory_space<vmem>>, vector<1x16xf32>,
    %swap3A_872 = vector.shape_cast %swap3A_871 : vector<1x16xf32> to vector<16xf32>
    %swap3A_873 = vector.shape_cast %mul3A_867 : vector<16xf32> to vector<1x16xf32>
    tpu.vector_store %arg8[%swap3A_869, %swap3A_870], %swap3A_873 {strides = array<i32>} : memref<1x1024xf32, #tpu.memory_space<vmem>>, vector<1x16xf32>,
    %get3A_874 = arith.constant 0 : i32
    %get3A_875 = arith.index_cast %get3A_874 : i32 to index
    %get3A_876 = arith.constant 272 : index
    %get3A_877 = tpu.vector_load %arg8[%get3A_875, %get3A_876] {strides = array<i32>} : memref<1x1024xf32, #tpu.memory_space<vmem>>, vector<1x16xf32>,
    %get3A_878 = vector.shape_cast %get3A_877 : vector<1x16xf32> to vector<16xf32>
    %mul3A_879 = arith.mulf %get3A_878, %broadcast_in_dim3A_659 : vector<16xf32>
    %swap3A_880 = arith.constant 0 : i32
    %swap3A_881 = arith.index_cast %swap3A_880 : i32 to index
    %swap3A_882 = arith.constant 272 : index
    %swap3A_883 = tpu.vector_load %arg8[%swap3A_881, %swap3A_882] {strides = array<i32>} : memref<1x1024xf32, #tpu.memory_space<vmem>>, vector<1x16xf32>,
    %swap3A_884 = vector.shape_cast %swap3A_883 : vector<1x16xf32> to vector<16xf32>
    %swap3A_885 = vector.shape_cast %mul3A_879 : vector<16xf32> to vector<1x16xf32>
    tpu.vector_store %arg8[%swap3A_881, %swap3A_882], %swap3A_885 {strides = array<i32>} : memref<1x1024xf32, #tpu.memory_space<vmem>>, vector<1x16xf32>,
    %get3A_886 = arith.constant 0 : i32
    %get3A_887 = arith.index_cast %get3A_886 : i32 to index
    %get3A_888 = arith.constant 288 : index
    %get3A_889 = tpu.vector_load %arg8[%get3A_887, %get3A_888] {strides = array<i32>} : memref<1x1024xf32, #tpu.memory_space<vmem>>, vector<1x16xf32>,
    %get3A_890 = vector.shape_cast %get3A_889 : vector<1x16xf32> to vector<16xf32>
    %mul3A_891 = arith.mulf %get3A_890, %broadcast_in_dim3A_659 : vector<16xf32>
    %swap3A_892 = arith.constant 0 : i32
    %swap3A_893 = arith.index_cast %swap3A_892 : i32 to index
    %swap3A_894 = arith.constant 288 : index
    %swap3A_895 = tpu.vector_load %arg8[%swap3A_893, %swap3A_894] {strides = array<i32>} : memref<1x1024xf32, #tpu.memory_space<vmem>>, vector<1x16xf32>,
    %swap3A_896 = vector.shape_cast %swap3A_895 : vector<1x16xf32> to vector<16xf32>
    %swap3A_897 = vector.shape_cast %mul3A_891 : vector<16xf32> to vector<1x16xf32>
    tpu.vector_store %arg8[%swap3A_893, %swap3A_894], %swap3A_897 {strides = array<i32>} : memref<1x1024xf32, #tpu.memory_space<vmem>>, vector<1x16xf32>,
    %get3A_898 = arith.constant 0 : i32
    %get3A_899 = arith.index_cast %get3A_898 : i32 to index
    %get3A_900 = arith.constant 304 : index
    %get3A_901 = tpu.vector_load %arg8[%get3A_899, %get3A_900] {strides = array<i32>} : memref<1x1024xf32, #tpu.memory_space<vmem>>, vector<1x16xf32>,
    %get3A_902 = vector.shape_cast %get3A_901 : vector<1x16xf32> to vector<16xf32>
    %mul3A_903 = arith.mulf %get3A_902, %broadcast_in_dim3A_659 : vector<16xf32>
    %swap3A_904 = arith.constant 0 : i32
    %swap3A_905 = arith.index_cast %swap3A_904 : i32 to index
    %swap3A_906 = arith.constant 304 : index
    %swap3A_907 = tpu.vector_load %arg8[%swap3A_905, %swap3A_906] {strides = array<i32>} : memref<1x1024xf32, #tpu.memory_space<vmem>>, vector<1x16xf32>,
    %swap3A_908 = vector.shape_cast %swap3A_907 : vector<1x16xf32> to vector<16xf32>
    %swap3A_909 = vector.shape_cast %mul3A_903 : vector<16xf32> to vector<1x16xf32>
    tpu.vector_store %arg8[%swap3A_905, %swap3A_906], %swap3A_909 {strides = array<i32>} : memref<1x1024xf32, #tpu.memory_space<vmem>>, vector<1x16xf32>,
    %get3A_910 = arith.constant 0 : i32
    %get3A_911 = arith.index_cast %get3A_910 : i32 to index
    %get3A_912 = arith.constant 320 : index
    %get3A_913 = tpu.vector_load %arg8[%get3A_911, %get3A_912] {strides = array<i32>} : memref<1x1024xf32, #tpu.memory_space<vmem>>, vector<1x16xf32>,
    %get3A_914 = vector.shape_cast %get3A_913 : vector<1x16xf32> to vector<16xf32>
    %mul3A_915 = arith.mulf %get3A_914, %broadcast_in_dim3A_659 : vector<16xf32>
    %swap3A_916 = arith.constant 0 : i32
    %swap3A_917 = arith.index_cast %swap3A_916 : i32 to index
    %swap3A_918 = arith.constant 320 : index
    %swap3A_919 = tpu.vector_load %arg8[%swap3A_917, %swap3A_918] {strides = array<i32>} : memref<1x1024xf32, #tpu.memory_space<vmem>>, vector<1x16xf32>,
    %swap3A_920 = vector.shape_cast %swap3A_919 : vector<1x16xf32> to vector<16xf32>
    %swap3A_921 = vector.shape_cast %mul3A_915 : vector<16xf32> to vector<1x16xf32>
    tpu.vector_store %arg8[%swap3A_917, %swap3A_918], %swap3A_921 {strides = array<i32>} : memref<1x1024xf32, #tpu.memory_space<vmem>>, vector<1x16xf32>,
    %get3A_922 = arith.constant 0 : i32
    %get3A_923 = arith.index_cast %get3A_922 : i32 to index
    %get3A_924 = arith.constant 336 : index
    %get3A_925 = tpu.vector_load %arg8[%get3A_923, %get3A_924] {strides = array<i32>} : memref<1x1024xf32, #tpu.memory_space<vmem>>, vector<1x16xf32>,
    %get3A_926 = vector.shape_cast %get3A_925 : vector<1x16xf32> to vector<16xf32>
    %mul3A_927 = arith.mulf %get3A_926, %broadcast_in_dim3A_659 : vector<16xf32>
    %swap3A_928 = arith.constant 0 : i32
    %swap3A_929 = arith.index_cast %swap3A_928 : i32 to index
    %swap3A_930 = arith.constant 336 : index
    %swap3A_931 = tpu.vector_load %arg8[%swap3A_929, %swap3A_930] {strides = array<i32>} : memref<1x1024xf32, #tpu.memory_space<vmem>>, vector<1x16xf32>,
    %swap3A_932 = vector.shape_cast %swap3A_931 : vector<1x16xf32> to vector<16xf32>
    %swap3A_933 = vector.shape_cast %mul3A_927 : vector<16xf32> to vector<1x16xf32>
    tpu.vector_store %arg8[%swap3A_929, %swap3A_930], %swap3A_933 {strides = array<i32>} : memref<1x1024xf32, #tpu.memory_space<vmem>>, vector<1x16xf32>,
    %get3A_934 = arith.constant 0 : i32
    %get3A_935 = arith.index_cast %get3A_934 : i32 to index
    %get3A_936 = arith.constant 352 : index
    %get3A_937 = tpu.vector_load %arg8[%get3A_935, %get3A_936] {strides = array<i32>} : memref<1x1024xf32, #tpu.memory_space<vmem>>, vector<1x16xf32>,
    %get3A_938 = vector.shape_cast %get3A_937 : vector<1x16xf32> to vector<16xf32>
    %mul3A_939 = arith.mulf %get3A_938, %broadcast_in_dim3A_659 : vector<16xf32>
    %swap3A_940 = arith.constant 0 : i32
    %swap3A_941 = arith.index_cast %swap3A_940 : i32 to index
    %swap3A_942 = arith.constant 352 : index
    %swap3A_943 = tpu.vector_load %arg8[%swap3A_941, %swap3A_942] {strides = array<i32>} : memref<1x1024xf32, #tpu.memory_space<vmem>>, vector<1x16xf32>,
    %swap3A_944 = vector.shape_cast %swap3A_943 : vector<1x16xf32> to vector<16xf32>
    %swap3A_945 = vector.shape_cast %mul3A_939 : vector<16xf32> to vector<1x16xf32>
    tpu.vector_store %arg8[%swap3A_941, %swap3A_942], %swap3A_945 {strides = array<i32>} : memref<1x1024xf32, #tpu.memory_space<vmem>>, vector<1x16xf32>,
    %get3A_946 = arith.constant 0 : i32
    %get3A_947 = arith.index_cast %get3A_946 : i32 to index
    %get3A_948 = arith.constant 368 : index
    %get3A_949 = tpu.vector_load %arg8[%get3A_947, %get3A_948] {strides = array<i32>} : memref<1x1024xf32, #tpu.memory_space<vmem>>, vector<1x16xf32>,
    %get3A_950 = vector.shape_cast %get3A_949 : vector<1x16xf32> to vector<16xf32>
    %mul3A_951 = arith.mulf %get3A_950, %broadcast_in_dim3A_659 : vector<16xf32>
    %swap3A_952 = arith.constant 0 : i32
    %swap3A_953 = arith.index_cast %swap3A_952 : i32 to index
    %swap3A_954 = arith.constant 368 : index
    %swap3A_955 = tpu.vector_load %arg8[%swap3A_953, %swap3A_954] {strides = array<i32>} : memref<1x1024xf32, #tpu.memory_space<vmem>>, vector<1x16xf32>,
    %swap3A_956 = vector.shape_cast %swap3A_955 : vector<1x16xf32> to vector<16xf32>
    %swap3A_957 = vector.shape_cast %mul3A_951 : vector<16xf32> to vector<1x16xf32>
    tpu.vector_store %arg8[%swap3A_953, %swap3A_954], %swap3A_957 {strides = array<i32>} : memref<1x1024xf32, #tpu.memory_space<vmem>>, vector<1x16xf32>,
    %get3A_958 = arith.constant 0 : i32
    %get3A_959 = arith.index_cast %get3A_958 : i32 to index
    %get3A_960 = arith.constant 384 : index
    %get3A_961 = tpu.vector_load %arg8[%get3A_959, %get3A_960] {strides = array<i32>} : memref<1x1024xf32, #tpu.memory_space<vmem>>, vector<1x16xf32>,
    %get3A_962 = vector.shape_cast %get3A_961 : vector<1x16xf32> to vector<16xf32>
    %mul3A_963 = arith.mulf %get3A_962, %broadcast_in_dim3A_659 : vector<16xf32>
    %swap3A_964 = arith.constant 0 : i32
    %swap3A_965 = arith.index_cast %swap3A_964 : i32 to index
    %swap3A_966 = arith.constant 384 : index
    %swap3A_967 = tpu.vector_load %arg8[%swap3A_965, %swap3A_966] {strides = array<i32>} : memref<1x1024xf32, #tpu.memory_space<vmem>>, vector<1x16xf32>,
    %swap3A_968 = vector.shape_cast %swap3A_967 : vector<1x16xf32> to vector<16xf32>
    %swap3A_969 = vector.shape_cast %mul3A_963 : vector<16xf32> to vector<1x16xf32>
    tpu.vector_store %arg8[%swap3A_965, %swap3A_966], %swap3A_969 {strides = array<i32>} : memref<1x1024xf32, #tpu.memory_space<vmem>>, vector<1x16xf32>,
    %get3A_970 = arith.constant 0 : i32
    %get3A_971 = arith.index_cast %get3A_970 : i32 to index
    %get3A_972 = arith.constant 400 : index
    %get3A_973 = tpu.vector_load %arg8[%get3A_971, %get3A_972] {strides = array<i32>} : memref<1x1024xf32, #tpu.memory_space<vmem>>, vector<1x16xf32>,
    %get3A_974 = vector.shape_cast %get3A_973 : vector<1x16xf32> to vector<16xf32>
    %mul3A_975 = arith.mulf %get3A_974, %broadcast_in_dim3A_659 : vector<16xf32>
    %swap3A_976 = arith.constant 0 : i32
    %swap3A_977 = arith.index_cast %swap3A_976 : i32 to index
    %swap3A_978 = arith.constant 400 : index
    %swap3A_979 = tpu.vector_load %arg8[%swap3A_977, %swap3A_978] {strides = array<i32>} : memref<1x1024xf32, #tpu.memory_space<vmem>>, vector<1x16xf32>,
    %swap3A_980 = vector.shape_cast %swap3A_979 : vector<1x16xf32> to vector<16xf32>
    %swap3A_981 = vector.shape_cast %mul3A_975 : vector<16xf32> to vector<1x16xf32>
    tpu.vector_store %arg8[%swap3A_977, %swap3A_978], %swap3A_981 {strides = array<i32>} : memref<1x1024xf32, #tpu.memory_space<vmem>>, vector<1x16xf32>,
    %get3A_982 = arith.constant 0 : i32
    %get3A_983 = arith.index_cast %get3A_982 : i32 to index
    %get3A_984 = arith.constant 416 : index
    %get3A_985 = tpu.vector_load %arg8[%get3A_983, %get3A_984] {strides = array<i32>} : memref<1x1024xf32, #tpu.memory_space<vmem>>, vector<1x16xf32>,
    %get3A_986 = vector.shape_cast %get3A_985 : vector<1x16xf32> to vector<16xf32>
    %mul3A_987 = arith.mulf %get3A_986, %broadcast_in_dim3A_659 : vector<16xf32>
    %swap3A_988 = arith.constant 0 : i32
    %swap3A_989 = arith.index_cast %swap3A_988 : i32 to index
    %swap3A_990 = arith.constant 416 : index
    %swap3A_991 = tpu.vector_load %arg8[%swap3A_989, %swap3A_990] {strides = array<i32>} : memref<1x1024xf32, #tpu.memory_space<vmem>>, vector<1x16xf32>,
    %swap3A_992 = vector.shape_cast %swap3A_991 : vector<1x16xf32> to vector<16xf32>
    %swap3A_993 = vector.shape_cast %mul3A_987 : vector<16xf32> to vector<1x16xf32>
    tpu.vector_store %arg8[%swap3A_989, %swap3A_990], %swap3A_993 {strides = array<i32>} : memref<1x1024xf32, #tpu.memory_space<vmem>>, vector<1x16xf32>,
    %get3A_994 = arith.constant 0 : i32
    %get3A_995 = arith.index_cast %get3A_994 : i32 to index
    %get3A_996 = arith.constant 432 : index
    %get3A_997 = tpu.vector_load %arg8[%get3A_995, %get3A_996] {strides = array<i32>} : memref<1x1024xf32, #tpu.memory_space<vmem>>, vector<1x16xf32>,
    %get3A_998 = vector.shape_cast %get3A_997 : vector<1x16xf32> to vector<16xf32>
    %mul3A_999 = arith.mulf %get3A_998, %broadcast_in_dim3A_659 : vector<16xf32>
    %swap3A_1000 = arith.constant 0 : i32
    %swap3A_1001 = arith.index_cast %swap3A_1000 : i32 to index
    %swap3A_1002 = arith.constant 432 : index
    %swap3A_1003 = tpu.vector_load %arg8[%swap3A_1001, %swap3A_1002] {strides = array<i32>} : memref<1x1024xf32, #tpu.memory_space<vmem>>, vector<1x16xf32>,
    %swap3A_1004 = vector.shape_cast %swap3A_1003 : vector<1x16xf32> to vector<16xf32>
    %swap3A_1005 = vector.shape_cast %mul3A_999 : vector<16xf32> to vector<1x16xf32>
    tpu.vector_store %arg8[%swap3A_1001, %swap3A_1002], %swap3A_1005 {strides = array<i32>} : memref<1x1024xf32, #tpu.memory_space<vmem>>, vector<1x16xf32>,
    %get3A_1006 = arith.constant 0 : i32
    %get3A_1007 = arith.index_cast %get3A_1006 : i32 to index
    %get3A_1008 = arith.constant 448 : index
    %get3A_1009 = tpu.vector_load %arg8[%get3A_1007, %get3A_1008] {strides = array<i32>} : memref<1x1024xf32, #tpu.memory_space<vmem>>, vector<1x16xf32>,
    %get3A_1010 = vector.shape_cast %get3A_1009 : vector<1x16xf32> to vector<16xf32>
    %mul3A_1011 = arith.mulf %get3A_1010, %broadcast_in_dim3A_659 : vector<16xf32>
    %swap3A_1012 = arith.constant 0 : i32
    %swap3A_1013 = arith.index_cast %swap3A_1012 : i32 to index
    %swap3A_1014 = arith.constant 448 : index
    %swap3A_1015 = tpu.vector_load %arg8[%swap3A_1013, %swap3A_1014] {strides = array<i32>} : memref<1x1024xf32, #tpu.memory_space<vmem>>, vector<1x16xf32>,
    %swap3A_1016 = vector.shape_cast %swap3A_1015 : vector<1x16xf32> to vector<16xf32>
    %swap3A_1017 = vector.shape_cast %mul3A_1011 : vector<16xf32> to vector<1x16xf32>
    tpu.vector_store %arg8[%swap3A_1013, %swap3A_1014], %swap3A_1017 {strides = array<i32>} : memref<1x1024xf32, #tpu.memory_space<vmem>>, vector<1x16xf32>,
    %get3A_1018 = arith.constant 0 : i32
    %get3A_1019 = arith.index_cast %get3A_1018 : i32 to index
    %get3A_1020 = arith.constant 464 : index
    %get3A_1021 = tpu.vector_load %arg8[%get3A_1019, %get3A_1020] {strides = array<i32>} : memref<1x1024xf32, #tpu.memory_space<vmem>>, vector<1x16xf32>,
    %get3A_1022 = vector.shape_cast %get3A_1021 : vector<1x16xf32> to vector<16xf32>
    %mul3A_1023 = arith.mulf %get3A_1022, %broadcast_in_dim3A_659 : vector<16xf32>
    %swap3A_1024 = arith.constant 0 : i32
    %swap3A_1025 = arith.index_cast %swap3A_1024 : i32 to index
    %swap3A_1026 = arith.constant 464 : index
    %swap3A_1027 = tpu.vector_load %arg8[%swap3A_1025, %swap3A_1026] {strides = array<i32>} : memref<1x1024xf32, #tpu.memory_space<vmem>>, vector<1x16xf32>,
    %swap3A_1028 = vector.shape_cast %swap3A_1027 : vector<1x16xf32> to vector<16xf32>
    %swap3A_1029 = vector.shape_cast %mul3A_1023 : vector<16xf32> to vector<1x16xf32>
    tpu.vector_store %arg8[%swap3A_1025, %swap3A_1026], %swap3A_1029 {strides = array<i32>} : memref<1x1024xf32, #tpu.memory_space<vmem>>, vector<1x16xf32>,
    %get3A_1030 = arith.constant 0 : i32
    %get3A_1031 = arith.index_cast %get3A_1030 : i32 to index
    %get3A_1032 = arith.constant 480 : index
    %get3A_1033 = tpu.vector_load %arg8[%get3A_1031, %get3A_1032] {strides = array<i32>} : memref<1x1024xf32, #tpu.memory_space<vmem>>, vector<1x16xf32>,
    %get3A_1034 = vector.shape_cast %get3A_1033 : vector<1x16xf32> to vector<16xf32>
    %mul3A_1035 = arith.mulf %get3A_1034, %broadcast_in_dim3A_659 : vector<16xf32>
    %swap3A_1036 = arith.constant 0 : i32
    %swap3A_1037 = arith.index_cast %swap3A_1036 : i32 to index
    %swap3A_1038 = arith.constant 480 : index
    %swap3A_1039 = tpu.vector_load %arg8[%swap3A_1037, %swap3A_1038] {strides = array<i32>} : memref<1x1024xf32, #tpu.memory_space<vmem>>, vector<1x16xf32>,
    %swap3A_1040 = vector.shape_cast %swap3A_1039 : vector<1x16xf32> to vector<16xf32>
    %swap3A_1041 = vector.shape_cast %mul3A_1035 : vector<16xf32> to vector<1x16xf32>
    tpu.vector_store %arg8[%swap3A_1037, %swap3A_1038], %swap3A_1041 {strides = array<i32>} : memref<1x1024xf32, #tpu.memory_space<vmem>>, vector<1x16xf32>,
    %get3A_1042 = arith.constant 0 : i32
    %get3A_1043 = arith.index_cast %get3A_1042 : i32 to index
    %get3A_1044 = arith.constant 496 : index
    %get3A_1045 = tpu.vector_load %arg8[%get3A_1043, %get3A_1044] {strides = array<i32>} : memref<1x1024xf32, #tpu.memory_space<vmem>>, vector<1x16xf32>,
    %get3A_1046 = vector.shape_cast %get3A_1045 : vector<1x16xf32> to vector<16xf32>
    %mul3A_1047 = arith.mulf %get3A_1046, %broadcast_in_dim3A_659 : vector<16xf32>
    %swap3A_1048 = arith.constant 0 : i32
    %swap3A_1049 = arith.index_cast %swap3A_1048 : i32 to index
    %swap3A_1050 = arith.constant 496 : index
    %swap3A_1051 = tpu.vector_load %arg8[%swap3A_1049, %swap3A_1050] {strides = array<i32>} : memref<1x1024xf32, #tpu.memory_space<vmem>>, vector<1x16xf32>,
    %swap3A_1052 = vector.shape_cast %swap3A_1051 : vector<1x16xf32> to vector<16xf32>
    %swap3A_1053 = vector.shape_cast %mul3A_1047 : vector<16xf32> to vector<1x16xf32>
    tpu.vector_store %arg8[%swap3A_1049, %swap3A_1050], %swap3A_1053 {strides = array<i32>} : memref<1x1024xf32, #tpu.memory_space<vmem>>, vector<1x16xf32>,
    %dma_start3A_1054 = arith.constant 0 : i32
    %dma_start3A_1055 = arith.constant 256 : i32
    %dma_start3A_1056 = tpu.memref_slice %arg8[%dma_start3A_1054, %dma_start3A_1055] : memref<1x1024xf32, #tpu.memory_space<vmem>> -> memref<1x256xf32, #tpu.memory_space<vmem>>
    %dma_start3A_1057 = arith.constant 256 : i32
    %dma_start3A_1058 = tpu.memref_slice %arg4[%arg1, %dma_start3A_1057] : memref<16x1024xf32, #tpu.memory_space<hbm>> -> memref<1x256xf32, #tpu.memory_space<hbm>>
    %dma_start3A_1059 = arith.constant 256 : i32
    %dma_start3A_1060 = tpu.memref_slice %arg4[%arg1, %dma_start3A_1059] : memref<16x1024xf32, #tpu.memory_space<hbm>> -> memref<1x256xf32, #tpu.memory_space<hbm>>
    %dma_start3A_1061 = arith.constant 0 : i32
    %dma_start3A_1062 = arith.constant 256 : i32
    %dma_start3A_1063 = tpu.memref_slice %arg8[%dma_start3A_1061, %dma_start3A_1062] : memref<1x1024xf32, #tpu.memory_space<vmem>> -> memref<1x256xf32, #tpu.memory_space<vmem>>
    tpu.enqueue_dma source(%dma_start3A_1063 : memref<1x256xf32, #tpu.memory_space<vmem>>) target(%dma_start3A_1060 : memref<1x256xf32, #tpu.memory_space<hbm>>) target_semaphore(%arg14 : memref<!tpu.dma_semaphore, #tpu.memory_space<semaphore_mem>>)
    %get3A_1064 = arith.constant 0 : i32
    %get3A_1065 = arith.index_cast %get3A_1064 : i32 to index
    %get3A_1066 = arith.constant 512 : index
    %get3A_1067 = tpu.vector_load %arg8[%get3A_1065, %get3A_1066] {strides = array<i32>} : memref<1x1024xf32, #tpu.memory_space<vmem>>, vector<1x16xf32>,
    %get3A_1068 = vector.shape_cast %get3A_1067 : vector<1x16xf32> to vector<16xf32>
    %mul3A_1069 = arith.mulf %get3A_1068, %broadcast_in_dim3A_659 : vector<16xf32>
    %swap3A_1070 = arith.constant 0 : i32
    %swap3A_1071 = arith.index_cast %swap3A_1070 : i32 to index
    %swap3A_1072 = arith.constant 512 : index
    %swap3A_1073 = tpu.vector_load %arg8[%swap3A_1071, %swap3A_1072] {strides = array<i32>} : memref<1x1024xf32, #tpu.memory_space<vmem>>, vector<1x16xf32>,
    %swap3A_1074 = vector.shape_cast %swap3A_1073 : vector<1x16xf32> to vector<16xf32>
    %swap3A_1075 = vector.shape_cast %mul3A_1069 : vector<16xf32> to vector<1x16xf32>
    tpu.vector_store %arg8[%swap3A_1071, %swap3A_1072], %swap3A_1075 {strides = array<i32>} : memref<1x1024xf32, #tpu.memory_space<vmem>>, vector<1x16xf32>,
    %get3A_1076 = arith.constant 0 : i32
    %get3A_1077 = arith.index_cast %get3A_1076 : i32 to index
    %get3A_1078 = arith.constant 528 : index
    %get3A_1079 = tpu.vector_load %arg8[%get3A_1077, %get3A_1078] {strides = array<i32>} : memref<1x1024xf32, #tpu.memory_space<vmem>>, vector<1x16xf32>,
    %get3A_1080 = vector.shape_cast %get3A_1079 : vector<1x16xf32> to vector<16xf32>
    %mul3A_1081 = arith.mulf %get3A_1080, %broadcast_in_dim3A_659 : vector<16xf32>
    %swap3A_1082 = arith.constant 0 : i32
    %swap3A_1083 = arith.index_cast %swap3A_1082 : i32 to index
    %swap3A_1084 = arith.constant 528 : index
    %swap3A_1085 = tpu.vector_load %arg8[%swap3A_1083, %swap3A_1084] {strides = array<i32>} : memref<1x1024xf32, #tpu.memory_space<vmem>>, vector<1x16xf32>,
    %swap3A_1086 = vector.shape_cast %swap3A_1085 : vector<1x16xf32> to vector<16xf32>
    %swap3A_1087 = vector.shape_cast %mul3A_1081 : vector<16xf32> to vector<1x16xf32>
    tpu.vector_store %arg8[%swap3A_1083, %swap3A_1084], %swap3A_1087 {strides = array<i32>} : memref<1x1024xf32, #tpu.memory_space<vmem>>, vector<1x16xf32>,
    %get3A_1088 = arith.constant 0 : i32
    %get3A_1089 = arith.index_cast %get3A_1088 : i32 to index
    %get3A_1090 = arith.constant 544 : index
    %get3A_1091 = tpu.vector_load %arg8[%get3A_1089, %get3A_1090] {strides = array<i32>} : memref<1x1024xf32, #tpu.memory_space<vmem>>, vector<1x16xf32>,
    %get3A_1092 = vector.shape_cast %get3A_1091 : vector<1x16xf32> to vector<16xf32>
    %mul3A_1093 = arith.mulf %get3A_1092, %broadcast_in_dim3A_659 : vector<16xf32>
    %swap3A_1094 = arith.constant 0 : i32
    %swap3A_1095 = arith.index_cast %swap3A_1094 : i32 to index
    %swap3A_1096 = arith.constant 544 : index
    %swap3A_1097 = tpu.vector_load %arg8[%swap3A_1095, %swap3A_1096] {strides = array<i32>} : memref<1x1024xf32, #tpu.memory_space<vmem>>, vector<1x16xf32>,
    %swap3A_1098 = vector.shape_cast %swap3A_1097 : vector<1x16xf32> to vector<16xf32>
    %swap3A_1099 = vector.shape_cast %mul3A_1093 : vector<16xf32> to vector<1x16xf32>
    tpu.vector_store %arg8[%swap3A_1095, %swap3A_1096], %swap3A_1099 {strides = array<i32>} : memref<1x1024xf32, #tpu.memory_space<vmem>>, vector<1x16xf32>,
    %get3A_1100 = arith.constant 0 : i32
    %get3A_1101 = arith.index_cast %get3A_1100 : i32 to index
    %get3A_1102 = arith.constant 560 : index
    %get3A_1103 = tpu.vector_load %arg8[%get3A_1101, %get3A_1102] {strides = array<i32>} : memref<1x1024xf32, #tpu.memory_space<vmem>>, vector<1x16xf32>,
    %get3A_1104 = vector.shape_cast %get3A_1103 : vector<1x16xf32> to vector<16xf32>
    %mul3A_1105 = arith.mulf %get3A_1104, %broadcast_in_dim3A_659 : vector<16xf32>
    %swap3A_1106 = arith.constant 0 : i32
    %swap3A_1107 = arith.index_cast %swap3A_1106 : i32 to index
    %swap3A_1108 = arith.constant 560 : index
    %swap3A_1109 = tpu.vector_load %arg8[%swap3A_1107, %swap3A_1108] {strides = array<i32>} : memref<1x1024xf32, #tpu.memory_space<vmem>>, vector<1x16xf32>,
    %swap3A_1110 = vector.shape_cast %swap3A_1109 : vector<1x16xf32> to vector<16xf32>
    %swap3A_1111 = vector.shape_cast %mul3A_1105 : vector<16xf32> to vector<1x16xf32>
    tpu.vector_store %arg8[%swap3A_1107, %swap3A_1108], %swap3A_1111 {strides = array<i32>} : memref<1x1024xf32, #tpu.memory_space<vmem>>, vector<1x16xf32>,
    %get3A_1112 = arith.constant 0 : i32
    %get3A_1113 = arith.index_cast %get3A_1112 : i32 to index
    %get3A_1114 = arith.constant 576 : index
    %get3A_1115 = tpu.vector_load %arg8[%get3A_1113, %get3A_1114] {strides = array<i32>} : memref<1x1024xf32, #tpu.memory_space<vmem>>, vector<1x16xf32>,
    %get3A_1116 = vector.shape_cast %get3A_1115 : vector<1x16xf32> to vector<16xf32>
    %mul3A_1117 = arith.mulf %get3A_1116, %broadcast_in_dim3A_659 : vector<16xf32>
    %swap3A_1118 = arith.constant 0 : i32
    %swap3A_1119 = arith.index_cast %swap3A_1118 : i32 to index
    %swap3A_1120 = arith.constant 576 : index
    %swap3A_1121 = tpu.vector_load %arg8[%swap3A_1119, %swap3A_1120] {strides = array<i32>} : memref<1x1024xf32, #tpu.memory_space<vmem>>, vector<1x16xf32>,
    %swap3A_1122 = vector.shape_cast %swap3A_1121 : vector<1x16xf32> to vector<16xf32>
    %swap3A_1123 = vector.shape_cast %mul3A_1117 : vector<16xf32> to vector<1x16xf32>
    tpu.vector_store %arg8[%swap3A_1119, %swap3A_1120], %swap3A_1123 {strides = array<i32>} : memref<1x1024xf32, #tpu.memory_space<vmem>>, vector<1x16xf32>,
    %get3A_1124 = arith.constant 0 : i32
    %get3A_1125 = arith.index_cast %get3A_1124 : i32 to index
    %get3A_1126 = arith.constant 592 : index
    %get3A_1127 = tpu.vector_load %arg8[%get3A_1125, %get3A_1126] {strides = array<i32>} : memref<1x1024xf32, #tpu.memory_space<vmem>>, vector<1x16xf32>,
    %get3A_1128 = vector.shape_cast %get3A_1127 : vector<1x16xf32> to vector<16xf32>
    %mul3A_1129 = arith.mulf %get3A_1128, %broadcast_in_dim3A_659 : vector<16xf32>
    %swap3A_1130 = arith.constant 0 : i32
    %swap3A_1131 = arith.index_cast %swap3A_1130 : i32 to index
    %swap3A_1132 = arith.constant 592 : index
    %swap3A_1133 = tpu.vector_load %arg8[%swap3A_1131, %swap3A_1132] {strides = array<i32>} : memref<1x1024xf32, #tpu.memory_space<vmem>>, vector<1x16xf32>,
    %swap3A_1134 = vector.shape_cast %swap3A_1133 : vector<1x16xf32> to vector<16xf32>
    %swap3A_1135 = vector.shape_cast %mul3A_1129 : vector<16xf32> to vector<1x16xf32>
    tpu.vector_store %arg8[%swap3A_1131, %swap3A_1132], %swap3A_1135 {strides = array<i32>} : memref<1x1024xf32, #tpu.memory_space<vmem>>, vector<1x16xf32>,
    %get3A_1136 = arith.constant 0 : i32
    %get3A_1137 = arith.index_cast %get3A_1136 : i32 to index
    %get3A_1138 = arith.constant 608 : index
    %get3A_1139 = tpu.vector_load %arg8[%get3A_1137, %get3A_1138] {strides = array<i32>} : memref<1x1024xf32, #tpu.memory_space<vmem>>, vector<1x16xf32>,
    %get3A_1140 = vector.shape_cast %get3A_1139 : vector<1x16xf32> to vector<16xf32>
    %mul3A_1141 = arith.mulf %get3A_1140, %broadcast_in_dim3A_659 : vector<16xf32>
    %swap3A_1142 = arith.constant 0 : i32
    %swap3A_1143 = arith.index_cast %swap3A_1142 : i32 to index
    %swap3A_1144 = arith.constant 608 : index
    %swap3A_1145 = tpu.vector_load %arg8[%swap3A_1143, %swap3A_1144] {strides = array<i32>} : memref<1x1024xf32, #tpu.memory_space<vmem>>, vector<1x16xf32>,
    %swap3A_1146 = vector.shape_cast %swap3A_1145 : vector<1x16xf32> to vector<16xf32>
    %swap3A_1147 = vector.shape_cast %mul3A_1141 : vector<16xf32> to vector<1x16xf32>
    tpu.vector_store %arg8[%swap3A_1143, %swap3A_1144], %swap3A_1147 {strides = array<i32>} : memref<1x1024xf32, #tpu.memory_space<vmem>>, vector<1x16xf32>,
    %get3A_1148 = arith.constant 0 : i32
    %get3A_1149 = arith.index_cast %get3A_1148 : i32 to index
    %get3A_1150 = arith.constant 624 : index
    %get3A_1151 = tpu.vector_load %arg8[%get3A_1149, %get3A_1150] {strides = array<i32>} : memref<1x1024xf32, #tpu.memory_space<vmem>>, vector<1x16xf32>,
    %get3A_1152 = vector.shape_cast %get3A_1151 : vector<1x16xf32> to vector<16xf32>
    %mul3A_1153 = arith.mulf %get3A_1152, %broadcast_in_dim3A_659 : vector<16xf32>
    %swap3A_1154 = arith.constant 0 : i32
    %swap3A_1155 = arith.index_cast %swap3A_1154 : i32 to index
    %swap3A_1156 = arith.constant 624 : index
    %swap3A_1157 = tpu.vector_load %arg8[%swap3A_1155, %swap3A_1156] {strides = array<i32>} : memref<1x1024xf32, #tpu.memory_space<vmem>>, vector<1x16xf32>,
    %swap3A_1158 = vector.shape_cast %swap3A_1157 : vector<1x16xf32> to vector<16xf32>
    %swap3A_1159 = vector.shape_cast %mul3A_1153 : vector<16xf32> to vector<1x16xf32>
    tpu.vector_store %arg8[%swap3A_1155, %swap3A_1156], %swap3A_1159 {strides = array<i32>} : memref<1x1024xf32, #tpu.memory_space<vmem>>, vector<1x16xf32>,
    %get3A_1160 = arith.constant 0 : i32
    %get3A_1161 = arith.index_cast %get3A_1160 : i32 to index
    %get3A_1162 = arith.constant 640 : index
    %get3A_1163 = tpu.vector_load %arg8[%get3A_1161, %get3A_1162] {strides = array<i32>} : memref<1x1024xf32, #tpu.memory_space<vmem>>, vector<1x16xf32>,
    %get3A_1164 = vector.shape_cast %get3A_1163 : vector<1x16xf32> to vector<16xf32>
    %mul3A_1165 = arith.mulf %get3A_1164, %broadcast_in_dim3A_659 : vector<16xf32>
    %swap3A_1166 = arith.constant 0 : i32
    %swap3A_1167 = arith.index_cast %swap3A_1166 : i32 to index
    %swap3A_1168 = arith.constant 640 : index
    %swap3A_1169 = tpu.vector_load %arg8[%swap3A_1167, %swap3A_1168] {strides = array<i32>} : memref<1x1024xf32, #tpu.memory_space<vmem>>, vector<1x16xf32>,
    %swap3A_1170 = vector.shape_cast %swap3A_1169 : vector<1x16xf32> to vector<16xf32>
    %swap3A_1171 = vector.shape_cast %mul3A_1165 : vector<16xf32> to vector<1x16xf32>
    tpu.vector_store %arg8[%swap3A_1167, %swap3A_1168], %swap3A_1171 {strides = array<i32>} : memref<1x1024xf32, #tpu.memory_space<vmem>>, vector<1x16xf32>,
    %get3A_1172 = arith.constant 0 : i32
    %get3A_1173 = arith.index_cast %get3A_1172 : i32 to index
    %get3A_1174 = arith.constant 656 : index
    %get3A_1175 = tpu.vector_load %arg8[%get3A_1173, %get3A_1174] {strides = array<i32>} : memref<1x1024xf32, #tpu.memory_space<vmem>>, vector<1x16xf32>,
    %get3A_1176 = vector.shape_cast %get3A_1175 : vector<1x16xf32> to vector<16xf32>
    %mul3A_1177 = arith.mulf %get3A_1176, %broadcast_in_dim3A_659 : vector<16xf32>
    %swap3A_1178 = arith.constant 0 : i32
    %swap3A_1179 = arith.index_cast %swap3A_1178 : i32 to index
    %swap3A_1180 = arith.constant 656 : index
    %swap3A_1181 = tpu.vector_load %arg8[%swap3A_1179, %swap3A_1180] {strides = array<i32>} : memref<1x1024xf32, #tpu.memory_space<vmem>>, vector<1x16xf32>,
    %swap3A_1182 = vector.shape_cast %swap3A_1181 : vector<1x16xf32> to vector<16xf32>
    %swap3A_1183 = vector.shape_cast %mul3A_1177 : vector<16xf32> to vector<1x16xf32>
    tpu.vector_store %arg8[%swap3A_1179, %swap3A_1180], %swap3A_1183 {strides = array<i32>} : memref<1x1024xf32, #tpu.memory_space<vmem>>, vector<1x16xf32>,
    %get3A_1184 = arith.constant 0 : i32
    %get3A_1185 = arith.index_cast %get3A_1184 : i32 to index
    %get3A_1186 = arith.constant 672 : index
    %get3A_1187 = tpu.vector_load %arg8[%get3A_1185, %get3A_1186] {strides = array<i32>} : memref<1x1024xf32, #tpu.memory_space<vmem>>, vector<1x16xf32>,
    %get3A_1188 = vector.shape_cast %get3A_1187 : vector<1x16xf32> to vector<16xf32>
    %mul3A_1189 = arith.mulf %get3A_1188, %broadcast_in_dim3A_659 : vector<16xf32>
    %swap3A_1190 = arith.constant 0 : i32
    %swap3A_1191 = arith.index_cast %swap3A_1190 : i32 to index
    %swap3A_1192 = arith.constant 672 : index
    %swap3A_1193 = tpu.vector_load %arg8[%swap3A_1191, %swap3A_1192] {strides = array<i32>} : memref<1x1024xf32, #tpu.memory_space<vmem>>, vector<1x16xf32>,
    %swap3A_1194 = vector.shape_cast %swap3A_1193 : vector<1x16xf32> to vector<16xf32>
    %swap3A_1195 = vector.shape_cast %mul3A_1189 : vector<16xf32> to vector<1x16xf32>
    tpu.vector_store %arg8[%swap3A_1191, %swap3A_1192], %swap3A_1195 {strides = array<i32>} : memref<1x1024xf32, #tpu.memory_space<vmem>>, vector<1x16xf32>,
    %get3A_1196 = arith.constant 0 : i32
    %get3A_1197 = arith.index_cast %get3A_1196 : i32 to index
    %get3A_1198 = arith.constant 688 : index
    %get3A_1199 = tpu.vector_load %arg8[%get3A_1197, %get3A_1198] {strides = array<i32>} : memref<1x1024xf32, #tpu.memory_space<vmem>>, vector<1x16xf32>,
    %get3A_1200 = vector.shape_cast %get3A_1199 : vector<1x16xf32> to vector<16xf32>
    %mul3A_1201 = arith.mulf %get3A_1200, %broadcast_in_dim3A_659 : vector<16xf32>
    %swap3A_1202 = arith.constant 0 : i32
    %swap3A_1203 = arith.index_cast %swap3A_1202 : i32 to index
    %swap3A_1204 = arith.constant 688 : index
    %swap3A_1205 = tpu.vector_load %arg8[%swap3A_1203, %swap3A_1204] {strides = array<i32>} : memref<1x1024xf32, #tpu.memory_space<vmem>>, vector<1x16xf32>,
    %swap3A_1206 = vector.shape_cast %swap3A_1205 : vector<1x16xf32> to vector<16xf32>
    %swap3A_1207 = vector.shape_cast %mul3A_1201 : vector<16xf32> to vector<1x16xf32>
    tpu.vector_store %arg8[%swap3A_1203, %swap3A_1204], %swap3A_1207 {strides = array<i32>} : memref<1x1024xf32, #tpu.memory_space<vmem>>, vector<1x16xf32>,
    %get3A_1208 = arith.constant 0 : i32
    %get3A_1209 = arith.index_cast %get3A_1208 : i32 to index
    %get3A_1210 = arith.constant 704 : index
    %get3A_1211 = tpu.vector_load %arg8[%get3A_1209, %get3A_1210] {strides = array<i32>} : memref<1x1024xf32, #tpu.memory_space<vmem>>, vector<1x16xf32>,
    %get3A_1212 = vector.shape_cast %get3A_1211 : vector<1x16xf32> to vector<16xf32>
    %mul3A_1213 = arith.mulf %get3A_1212, %broadcast_in_dim3A_659 : vector<16xf32>
    %swap3A_1214 = arith.constant 0 : i32
    %swap3A_1215 = arith.index_cast %swap3A_1214 : i32 to index
    %swap3A_1216 = arith.constant 704 : index
    %swap3A_1217 = tpu.vector_load %arg8[%swap3A_1215, %swap3A_1216] {strides = array<i32>} : memref<1x1024xf32, #tpu.memory_space<vmem>>, vector<1x16xf32>,
    %swap3A_1218 = vector.shape_cast %swap3A_1217 : vector<1x16xf32> to vector<16xf32>
    %swap3A_1219 = vector.shape_cast %mul3A_1213 : vector<16xf32> to vector<1x16xf32>
    tpu.vector_store %arg8[%swap3A_1215, %swap3A_1216], %swap3A_1219 {strides = array<i32>} : memref<1x1024xf32, #tpu.memory_space<vmem>>, vector<1x16xf32>,
    %get3A_1220 = arith.constant 0 : i32
    %get3A_1221 = arith.index_cast %get3A_1220 : i32 to index
    %get3A_1222 = arith.constant 720 : index
    %get3A_1223 = tpu.vector_load %arg8[%get3A_1221, %get3A_1222] {strides = array<i32>} : memref<1x1024xf32, #tpu.memory_space<vmem>>, vector<1x16xf32>,
    %get3A_1224 = vector.shape_cast %get3A_1223 : vector<1x16xf32> to vector<16xf32>
    %mul3A_1225 = arith.mulf %get3A_1224, %broadcast_in_dim3A_659 : vector<16xf32>
    %swap3A_1226 = arith.constant 0 : i32
    %swap3A_1227 = arith.index_cast %swap3A_1226 : i32 to index
    %swap3A_1228 = arith.constant 720 : index
    %swap3A_1229 = tpu.vector_load %arg8[%swap3A_1227, %swap3A_1228] {strides = array<i32>} : memref<1x1024xf32, #tpu.memory_space<vmem>>, vector<1x16xf32>,
    %swap3A_1230 = vector.shape_cast %swap3A_1229 : vector<1x16xf32> to vector<16xf32>
    %swap3A_1231 = vector.shape_cast %mul3A_1225 : vector<16xf32> to vector<1x16xf32>
    tpu.vector_store %arg8[%swap3A_1227, %swap3A_1228], %swap3A_1231 {strides = array<i32>} : memref<1x1024xf32, #tpu.memory_space<vmem>>, vector<1x16xf32>,
    %get3A_1232 = arith.constant 0 : i32
    %get3A_1233 = arith.index_cast %get3A_1232 : i32 to index
    %get3A_1234 = arith.constant 736 : index
    %get3A_1235 = tpu.vector_load %arg8[%get3A_1233, %get3A_1234] {strides = array<i32>} : memref<1x1024xf32, #tpu.memory_space<vmem>>, vector<1x16xf32>,
    %get3A_1236 = vector.shape_cast %get3A_1235 : vector<1x16xf32> to vector<16xf32>
    %mul3A_1237 = arith.mulf %get3A_1236, %broadcast_in_dim3A_659 : vector<16xf32>
    %swap3A_1238 = arith.constant 0 : i32
    %swap3A_1239 = arith.index_cast %swap3A_1238 : i32 to index
    %swap3A_1240 = arith.constant 736 : index
    %swap3A_1241 = tpu.vector_load %arg8[%swap3A_1239, %swap3A_1240] {strides = array<i32>} : memref<1x1024xf32, #tpu.memory_space<vmem>>, vector<1x16xf32>,
    %swap3A_1242 = vector.shape_cast %swap3A_1241 : vector<1x16xf32> to vector<16xf32>
    %swap3A_1243 = vector.shape_cast %mul3A_1237 : vector<16xf32> to vector<1x16xf32>
    tpu.vector_store %arg8[%swap3A_1239, %swap3A_1240], %swap3A_1243 {strides = array<i32>} : memref<1x1024xf32, #tpu.memory_space<vmem>>, vector<1x16xf32>,
    %get3A_1244 = arith.constant 0 : i32
    %get3A_1245 = arith.index_cast %get3A_1244 : i32 to index
    %get3A_1246 = arith.constant 752 : index
    %get3A_1247 = tpu.vector_load %arg8[%get3A_1245, %get3A_1246] {strides = array<i32>} : memref<1x1024xf32, #tpu.memory_space<vmem>>, vector<1x16xf32>,
    %get3A_1248 = vector.shape_cast %get3A_1247 : vector<1x16xf32> to vector<16xf32>
    %mul3A_1249 = arith.mulf %get3A_1248, %broadcast_in_dim3A_659 : vector<16xf32>
    %swap3A_1250 = arith.constant 0 : i32
    %swap3A_1251 = arith.index_cast %swap3A_1250 : i32 to index
    %swap3A_1252 = arith.constant 752 : index
    %swap3A_1253 = tpu.vector_load %arg8[%swap3A_1251, %swap3A_1252] {strides = array<i32>} : memref<1x1024xf32, #tpu.memory_space<vmem>>, vector<1x16xf32>,
    %swap3A_1254 = vector.shape_cast %swap3A_1253 : vector<1x16xf32> to vector<16xf32>
    %swap3A_1255 = vector.shape_cast %mul3A_1249 : vector<16xf32> to vector<1x16xf32>
    tpu.vector_store %arg8[%swap3A_1251, %swap3A_1252], %swap3A_1255 {strides = array<i32>} : memref<1x1024xf32, #tpu.memory_space<vmem>>, vector<1x16xf32>,
    %dma_start3A_1256 = arith.constant 0 : i32
    %dma_start3A_1257 = arith.constant 512 : i32
    %dma_start3A_1258 = tpu.memref_slice %arg8[%dma_start3A_1256, %dma_start3A_1257] : memref<1x1024xf32, #tpu.memory_space<vmem>> -> memref<1x256xf32, #tpu.memory_space<vmem>>
    %dma_start3A_1259 = arith.constant 512 : i32
    %dma_start3A_1260 = tpu.memref_slice %arg4[%arg1, %dma_start3A_1259] : memref<16x1024xf32, #tpu.memory_space<hbm>> -> memref<1x256xf32, #tpu.memory_space<hbm>>
    %dma_start3A_1261 = arith.constant 512 : i32
    %dma_start3A_1262 = tpu.memref_slice %arg4[%arg1, %dma_start3A_1261] : memref<16x1024xf32, #tpu.memory_space<hbm>> -> memref<1x256xf32, #tpu.memory_space<hbm>>
    %dma_start3A_1263 = arith.constant 0 : i32
    %dma_start3A_1264 = arith.constant 512 : i32
    %dma_start3A_1265 = tpu.memref_slice %arg8[%dma_start3A_1263, %dma_start3A_1264] : memref<1x1024xf32, #tpu.memory_space<vmem>> -> memref<1x256xf32, #tpu.memory_space<vmem>>
    tpu.enqueue_dma source(%dma_start3A_1265 : memref<1x256xf32, #tpu.memory_space<vmem>>) target(%dma_start3A_1262 : memref<1x256xf32, #tpu.memory_space<hbm>>) target_semaphore(%arg14 : memref<!tpu.dma_semaphore, #tpu.memory_space<semaphore_mem>>)
    %get3A_1266 = arith.constant 0 : i32
    %get3A_1267 = arith.index_cast %get3A_1266 : i32 to index
    %get3A_1268 = arith.constant 768 : index
    %get3A_1269 = tpu.vector_load %arg8[%get3A_1267, %get3A_1268] {strides = array<i32>} : memref<1x1024xf32, #tpu.memory_space<vmem>>, vector<1x16xf32>,
    %get3A_1270 = vector.shape_cast %get3A_1269 : vector<1x16xf32> to vector<16xf32>
    %mul3A_1271 = arith.mulf %get3A_1270, %broadcast_in_dim3A_659 : vector<16xf32>
    %swap3A_1272 = arith.constant 0 : i32
    %swap3A_1273 = arith.index_cast %swap3A_1272 : i32 to index
    %swap3A_1274 = arith.constant 768 : index
    %swap3A_1275 = tpu.vector_load %arg8[%swap3A_1273, %swap3A_1274] {strides = array<i32>} : memref<1x1024xf32, #tpu.memory_space<vmem>>, vector<1x16xf32>,
    %swap3A_1276 = vector.shape_cast %swap3A_1275 : vector<1x16xf32> to vector<16xf32>
    %swap3A_1277 = vector.shape_cast %mul3A_1271 : vector<16xf32> to vector<1x16xf32>
    tpu.vector_store %arg8[%swap3A_1273, %swap3A_1274], %swap3A_1277 {strides = array<i32>} : memref<1x1024xf32, #tpu.memory_space<vmem>>, vector<1x16xf32>,
    %get3A_1278 = arith.constant 0 : i32
    %get3A_1279 = arith.index_cast %get3A_1278 : i32 to index
    %get3A_1280 = arith.constant 784 : index
    %get3A_1281 = tpu.vector_load %arg8[%get3A_1279, %get3A_1280] {strides = array<i32>} : memref<1x1024xf32, #tpu.memory_space<vmem>>, vector<1x16xf32>,
    %get3A_1282 = vector.shape_cast %get3A_1281 : vector<1x16xf32> to vector<16xf32>
    %mul3A_1283 = arith.mulf %get3A_1282, %broadcast_in_dim3A_659 : vector<16xf32>
    %swap3A_1284 = arith.constant 0 : i32
    %swap3A_1285 = arith.index_cast %swap3A_1284 : i32 to index
    %swap3A_1286 = arith.constant 784 : index
    %swap3A_1287 = tpu.vector_load %arg8[%swap3A_1285, %swap3A_1286] {strides = array<i32>} : memref<1x1024xf32, #tpu.memory_space<vmem>>, vector<1x16xf32>,
    %swap3A_1288 = vector.shape_cast %swap3A_1287 : vector<1x16xf32> to vector<16xf32>
    %swap3A_1289 = vector.shape_cast %mul3A_1283 : vector<16xf32> to vector<1x16xf32>
    tpu.vector_store %arg8[%swap3A_1285, %swap3A_1286], %swap3A_1289 {strides = array<i32>} : memref<1x1024xf32, #tpu.memory_space<vmem>>, vector<1x16xf32>,
    %get3A_1290 = arith.constant 0 : i32
    %get3A_1291 = arith.index_cast %get3A_1290 : i32 to index
    %get3A_1292 = arith.constant 800 : index
    %get3A_1293 = tpu.vector_load %arg8[%get3A_1291, %get3A_1292] {strides = array<i32>} : memref<1x1024xf32, #tpu.memory_space<vmem>>, vector<1x16xf32>,
    %get3A_1294 = vector.shape_cast %get3A_1293 : vector<1x16xf32> to vector<16xf32>
    %mul3A_1295 = arith.mulf %get3A_1294, %broadcast_in_dim3A_659 : vector<16xf32>
    %swap3A_1296 = arith.constant 0 : i32
    %swap3A_1297 = arith.index_cast %swap3A_1296 : i32 to index
    %swap3A_1298 = arith.constant 800 : index
    %swap3A_1299 = tpu.vector_load %arg8[%swap3A_1297, %swap3A_1298] {strides = array<i32>} : memref<1x1024xf32, #tpu.memory_space<vmem>>, vector<1x16xf32>,
    %swap3A_1300 = vector.shape_cast %swap3A_1299 : vector<1x16xf32> to vector<16xf32>
    %swap3A_1301 = vector.shape_cast %mul3A_1295 : vector<16xf32> to vector<1x16xf32>
    tpu.vector_store %arg8[%swap3A_1297, %swap3A_1298], %swap3A_1301 {strides = array<i32>} : memref<1x1024xf32, #tpu.memory_space<vmem>>, vector<1x16xf32>,
    %get3A_1302 = arith.constant 0 : i32
    %get3A_1303 = arith.index_cast %get3A_1302 : i32 to index
    %get3A_1304 = arith.constant 816 : index
    %get3A_1305 = tpu.vector_load %arg8[%get3A_1303, %get3A_1304] {strides = array<i32>} : memref<1x1024xf32, #tpu.memory_space<vmem>>, vector<1x16xf32>,
    %get3A_1306 = vector.shape_cast %get3A_1305 : vector<1x16xf32> to vector<16xf32>
    %mul3A_1307 = arith.mulf %get3A_1306, %broadcast_in_dim3A_659 : vector<16xf32>
    %swap3A_1308 = arith.constant 0 : i32
    %swap3A_1309 = arith.index_cast %swap3A_1308 : i32 to index
    %swap3A_1310 = arith.constant 816 : index
    %swap3A_1311 = tpu.vector_load %arg8[%swap3A_1309, %swap3A_1310] {strides = array<i32>} : memref<1x1024xf32, #tpu.memory_space<vmem>>, vector<1x16xf32>,
    %swap3A_1312 = vector.shape_cast %swap3A_1311 : vector<1x16xf32> to vector<16xf32>
    %swap3A_1313 = vector.shape_cast %mul3A_1307 : vector<16xf32> to vector<1x16xf32>
    tpu.vector_store %arg8[%swap3A_1309, %swap3A_1310], %swap3A_1313 {strides = array<i32>} : memref<1x1024xf32, #tpu.memory_space<vmem>>, vector<1x16xf32>,
    %get3A_1314 = arith.constant 0 : i32
    %get3A_1315 = arith.index_cast %get3A_1314 : i32 to index
    %get3A_1316 = arith.constant 832 : index
    %get3A_1317 = tpu.vector_load %arg8[%get3A_1315, %get3A_1316] {strides = array<i32>} : memref<1x1024xf32, #tpu.memory_space<vmem>>, vector<1x16xf32>,
    %get3A_1318 = vector.shape_cast %get3A_1317 : vector<1x16xf32> to vector<16xf32>
    %mul3A_1319 = arith.mulf %get3A_1318, %broadcast_in_dim3A_659 : vector<16xf32>
    %swap3A_1320 = arith.constant 0 : i32
    %swap3A_1321 = arith.index_cast %swap3A_1320 : i32 to index
    %swap3A_1322 = arith.constant 832 : index
    %swap3A_1323 = tpu.vector_load %arg8[%swap3A_1321, %swap3A_1322] {strides = array<i32>} : memref<1x1024xf32, #tpu.memory_space<vmem>>, vector<1x16xf32>,
    %swap3A_1324 = vector.shape_cast %swap3A_1323 : vector<1x16xf32> to vector<16xf32>
    %swap3A_1325 = vector.shape_cast %mul3A_1319 : vector<16xf32> to vector<1x16xf32>
    tpu.vector_store %arg8[%swap3A_1321, %swap3A_1322], %swap3A_1325 {strides = array<i32>} : memref<1x1024xf32, #tpu.memory_space<vmem>>, vector<1x16xf32>,
    %get3A_1326 = arith.constant 0 : i32
    %get3A_1327 = arith.index_cast %get3A_1326 : i32 to index
    %get3A_1328 = arith.constant 848 : index
    %get3A_1329 = tpu.vector_load %arg8[%get3A_1327, %get3A_1328] {strides = array<i32>} : memref<1x1024xf32, #tpu.memory_space<vmem>>, vector<1x16xf32>,
    %get3A_1330 = vector.shape_cast %get3A_1329 : vector<1x16xf32> to vector<16xf32>
    %mul3A_1331 = arith.mulf %get3A_1330, %broadcast_in_dim3A_659 : vector<16xf32>
    %swap3A_1332 = arith.constant 0 : i32
    %swap3A_1333 = arith.index_cast %swap3A_1332 : i32 to index
    %swap3A_1334 = arith.constant 848 : index
    %swap3A_1335 = tpu.vector_load %arg8[%swap3A_1333, %swap3A_1334] {strides = array<i32>} : memref<1x1024xf32, #tpu.memory_space<vmem>>, vector<1x16xf32>,
    %swap3A_1336 = vector.shape_cast %swap3A_1335 : vector<1x16xf32> to vector<16xf32>
    %swap3A_1337 = vector.shape_cast %mul3A_1331 : vector<16xf32> to vector<1x16xf32>
    tpu.vector_store %arg8[%swap3A_1333, %swap3A_1334], %swap3A_1337 {strides = array<i32>} : memref<1x1024xf32, #tpu.memory_space<vmem>>, vector<1x16xf32>,
    %get3A_1338 = arith.constant 0 : i32
    %get3A_1339 = arith.index_cast %get3A_1338 : i32 to index
    %get3A_1340 = arith.constant 864 : index
    %get3A_1341 = tpu.vector_load %arg8[%get3A_1339, %get3A_1340] {strides = array<i32>} : memref<1x1024xf32, #tpu.memory_space<vmem>>, vector<1x16xf32>,
    %get3A_1342 = vector.shape_cast %get3A_1341 : vector<1x16xf32> to vector<16xf32>
    %mul3A_1343 = arith.mulf %get3A_1342, %broadcast_in_dim3A_659 : vector<16xf32>
    %swap3A_1344 = arith.constant 0 : i32
    %swap3A_1345 = arith.index_cast %swap3A_1344 : i32 to index
    %swap3A_1346 = arith.constant 864 : index
    %swap3A_1347 = tpu.vector_load %arg8[%swap3A_1345, %swap3A_1346] {strides = array<i32>} : memref<1x1024xf32, #tpu.memory_space<vmem>>, vector<1x16xf32>,
    %swap3A_1348 = vector.shape_cast %swap3A_1347 : vector<1x16xf32> to vector<16xf32>
    %swap3A_1349 = vector.shape_cast %mul3A_1343 : vector<16xf32> to vector<1x16xf32>
    tpu.vector_store %arg8[%swap3A_1345, %swap3A_1346], %swap3A_1349 {strides = array<i32>} : memref<1x1024xf32, #tpu.memory_space<vmem>>, vector<1x16xf32>,
    %get3A_1350 = arith.constant 0 : i32
    %get3A_1351 = arith.index_cast %get3A_1350 : i32 to index
    %get3A_1352 = arith.constant 880 : index
    %get3A_1353 = tpu.vector_load %arg8[%get3A_1351, %get3A_1352] {strides = array<i32>} : memref<1x1024xf32, #tpu.memory_space<vmem>>, vector<1x16xf32>,
    %get3A_1354 = vector.shape_cast %get3A_1353 : vector<1x16xf32> to vector<16xf32>
    %mul3A_1355 = arith.mulf %get3A_1354, %broadcast_in_dim3A_659 : vector<16xf32>
    %swap3A_1356 = arith.constant 0 : i32
    %swap3A_1357 = arith.index_cast %swap3A_1356 : i32 to index
    %swap3A_1358 = arith.constant 880 : index
    %swap3A_1359 = tpu.vector_load %arg8[%swap3A_1357, %swap3A_1358] {strides = array<i32>} : memref<1x1024xf32, #tpu.memory_space<vmem>>, vector<1x16xf32>,
    %swap3A_1360 = vector.shape_cast %swap3A_1359 : vector<1x16xf32> to vector<16xf32>
    %swap3A_1361 = vector.shape_cast %mul3A_1355 : vector<16xf32> to vector<1x16xf32>
    tpu.vector_store %arg8[%swap3A_1357, %swap3A_1358], %swap3A_1361 {strides = array<i32>} : memref<1x1024xf32, #tpu.memory_space<vmem>>, vector<1x16xf32>,
    %get3A_1362 = arith.constant 0 : i32
    %get3A_1363 = arith.index_cast %get3A_1362 : i32 to index
    %get3A_1364 = arith.constant 896 : index
    %get3A_1365 = tpu.vector_load %arg8[%get3A_1363, %get3A_1364] {strides = array<i32>} : memref<1x1024xf32, #tpu.memory_space<vmem>>, vector<1x16xf32>,
    %get3A_1366 = vector.shape_cast %get3A_1365 : vector<1x16xf32> to vector<16xf32>
    %mul3A_1367 = arith.mulf %get3A_1366, %broadcast_in_dim3A_659 : vector<16xf32>
    %swap3A_1368 = arith.constant 0 : i32
    %swap3A_1369 = arith.index_cast %swap3A_1368 : i32 to index
    %swap3A_1370 = arith.constant 896 : index
    %swap3A_1371 = tpu.vector_load %arg8[%swap3A_1369, %swap3A_1370] {strides = array<i32>} : memref<1x1024xf32, #tpu.memory_space<vmem>>, vector<1x16xf32>,
    %swap3A_1372 = vector.shape_cast %swap3A_1371 : vector<1x16xf32> to vector<16xf32>
    %swap3A_1373 = vector.shape_cast %mul3A_1367 : vector<16xf32> to vector<1x16xf32>
    tpu.vector_store %arg8[%swap3A_1369, %swap3A_1370], %swap3A_1373 {strides = array<i32>} : memref<1x1024xf32, #tpu.memory_space<vmem>>, vector<1x16xf32>,
    %get3A_1374 = arith.constant 0 : i32
    %get3A_1375 = arith.index_cast %get3A_1374 : i32 to index
    %get3A_1376 = arith.constant 912 : index
    %get3A_1377 = tpu.vector_load %arg8[%get3A_1375, %get3A_1376] {strides = array<i32>} : memref<1x1024xf32, #tpu.memory_space<vmem>>, vector<1x16xf32>,
    %get3A_1378 = vector.shape_cast %get3A_1377 : vector<1x16xf32> to vector<16xf32>
    %mul3A_1379 = arith.mulf %get3A_1378, %broadcast_in_dim3A_659 : vector<16xf32>
    %swap3A_1380 = arith.constant 0 : i32
    %swap3A_1381 = arith.index_cast %swap3A_1380 : i32 to index
    %swap3A_1382 = arith.constant 912 : index
    %swap3A_1383 = tpu.vector_load %arg8[%swap3A_1381, %swap3A_1382] {strides = array<i32>} : memref<1x1024xf32, #tpu.memory_space<vmem>>, vector<1x16xf32>,
    %swap3A_1384 = vector.shape_cast %swap3A_1383 : vector<1x16xf32> to vector<16xf32>
    %swap3A_1385 = vector.shape_cast %mul3A_1379 : vector<16xf32> to vector<1x16xf32>
    tpu.vector_store %arg8[%swap3A_1381, %swap3A_1382], %swap3A_1385 {strides = array<i32>} : memref<1x1024xf32, #tpu.memory_space<vmem>>, vector<1x16xf32>,
    %get3A_1386 = arith.constant 0 : i32
    %get3A_1387 = arith.index_cast %get3A_1386 : i32 to index
    %get3A_1388 = arith.constant 928 : index
    %get3A_1389 = tpu.vector_load %arg8[%get3A_1387, %get3A_1388] {strides = array<i32>} : memref<1x1024xf32, #tpu.memory_space<vmem>>, vector<1x16xf32>,
    %get3A_1390 = vector.shape_cast %get3A_1389 : vector<1x16xf32> to vector<16xf32>
    %mul3A_1391 = arith.mulf %get3A_1390, %broadcast_in_dim3A_659 : vector<16xf32>
    %swap3A_1392 = arith.constant 0 : i32
    %swap3A_1393 = arith.index_cast %swap3A_1392 : i32 to index
    %swap3A_1394 = arith.constant 928 : index
    %swap3A_1395 = tpu.vector_load %arg8[%swap3A_1393, %swap3A_1394] {strides = array<i32>} : memref<1x1024xf32, #tpu.memory_space<vmem>>, vector<1x16xf32>,
    %swap3A_1396 = vector.shape_cast %swap3A_1395 : vector<1x16xf32> to vector<16xf32>
    %swap3A_1397 = vector.shape_cast %mul3A_1391 : vector<16xf32> to vector<1x16xf32>
    tpu.vector_store %arg8[%swap3A_1393, %swap3A_1394], %swap3A_1397 {strides = array<i32>} : memref<1x1024xf32, #tpu.memory_space<vmem>>, vector<1x16xf32>,
    %get3A_1398 = arith.constant 0 : i32
    %get3A_1399 = arith.index_cast %get3A_1398 : i32 to index
    %get3A_1400 = arith.constant 944 : index
    %get3A_1401 = tpu.vector_load %arg8[%get3A_1399, %get3A_1400] {strides = array<i32>} : memref<1x1024xf32, #tpu.memory_space<vmem>>, vector<1x16xf32>,
    %get3A_1402 = vector.shape_cast %get3A_1401 : vector<1x16xf32> to vector<16xf32>
    %mul3A_1403 = arith.mulf %get3A_1402, %broadcast_in_dim3A_659 : vector<16xf32>
    %swap3A_1404 = arith.constant 0 : i32
    %swap3A_1405 = arith.index_cast %swap3A_1404 : i32 to index
    %swap3A_1406 = arith.constant 944 : index
    %swap3A_1407 = tpu.vector_load %arg8[%swap3A_1405, %swap3A_1406] {strides = array<i32>} : memref<1x1024xf32, #tpu.memory_space<vmem>>, vector<1x16xf32>,
    %swap3A_1408 = vector.shape_cast %swap3A_1407 : vector<1x16xf32> to vector<16xf32>
    %swap3A_1409 = vector.shape_cast %mul3A_1403 : vector<16xf32> to vector<1x16xf32>
    tpu.vector_store %arg8[%swap3A_1405, %swap3A_1406], %swap3A_1409 {strides = array<i32>} : memref<1x1024xf32, #tpu.memory_space<vmem>>, vector<1x16xf32>,
    %get3A_1410 = arith.constant 0 : i32
    %get3A_1411 = arith.index_cast %get3A_1410 : i32 to index
    %get3A_1412 = arith.constant 960 : index
    %get3A_1413 = tpu.vector_load %arg8[%get3A_1411, %get3A_1412] {strides = array<i32>} : memref<1x1024xf32, #tpu.memory_space<vmem>>, vector<1x16xf32>,
    %get3A_1414 = vector.shape_cast %get3A_1413 : vector<1x16xf32> to vector<16xf32>
    %mul3A_1415 = arith.mulf %get3A_1414, %broadcast_in_dim3A_659 : vector<16xf32>
    %swap3A_1416 = arith.constant 0 : i32
    %swap3A_1417 = arith.index_cast %swap3A_1416 : i32 to index
    %swap3A_1418 = arith.constant 960 : index
    %swap3A_1419 = tpu.vector_load %arg8[%swap3A_1417, %swap3A_1418] {strides = array<i32>} : memref<1x1024xf32, #tpu.memory_space<vmem>>, vector<1x16xf32>,
    %swap3A_1420 = vector.shape_cast %swap3A_1419 : vector<1x16xf32> to vector<16xf32>
    %swap3A_1421 = vector.shape_cast %mul3A_1415 : vector<16xf32> to vector<1x16xf32>
    tpu.vector_store %arg8[%swap3A_1417, %swap3A_1418], %swap3A_1421 {strides = array<i32>} : memref<1x1024xf32, #tpu.memory_space<vmem>>, vector<1x16xf32>,
    %get3A_1422 = arith.constant 0 : i32
    %get3A_1423 = arith.index_cast %get3A_1422 : i32 to index
    %get3A_1424 = arith.constant 976 : index
    %get3A_1425 = tpu.vector_load %arg8[%get3A_1423, %get3A_1424] {strides = array<i32>} : memref<1x1024xf32, #tpu.memory_space<vmem>>, vector<1x16xf32>,
    %get3A_1426 = vector.shape_cast %get3A_1425 : vector<1x16xf32> to vector<16xf32>
    %mul3A_1427 = arith.mulf %get3A_1426, %broadcast_in_dim3A_659 : vector<16xf32>
    %swap3A_1428 = arith.constant 0 : i32
    %swap3A_1429 = arith.index_cast %swap3A_1428 : i32 to index
    %swap3A_1430 = arith.constant 976 : index
    %swap3A_1431 = tpu.vector_load %arg8[%swap3A_1429, %swap3A_1430] {strides = array<i32>} : memref<1x1024xf32, #tpu.memory_space<vmem>>, vector<1x16xf32>,
    %swap3A_1432 = vector.shape_cast %swap3A_1431 : vector<1x16xf32> to vector<16xf32>
    %swap3A_1433 = vector.shape_cast %mul3A_1427 : vector<16xf32> to vector<1x16xf32>
    tpu.vector_store %arg8[%swap3A_1429, %swap3A_1430], %swap3A_1433 {strides = array<i32>} : memref<1x1024xf32, #tpu.memory_space<vmem>>, vector<1x16xf32>,
    %get3A_1434 = arith.constant 0 : i32
    %get3A_1435 = arith.index_cast %get3A_1434 : i32 to index
    %get3A_1436 = arith.constant 992 : index
    %get3A_1437 = tpu.vector_load %arg8[%get3A_1435, %get3A_1436] {strides = array<i32>} : memref<1x1024xf32, #tpu.memory_space<vmem>>, vector<1x16xf32>,
    %get3A_1438 = vector.shape_cast %get3A_1437 : vector<1x16xf32> to vector<16xf32>
    %mul3A_1439 = arith.mulf %get3A_1438, %broadcast_in_dim3A_659 : vector<16xf32>
    %swap3A_1440 = arith.constant 0 : i32
    %swap3A_1441 = arith.index_cast %swap3A_1440 : i32 to index
    %swap3A_1442 = arith.constant 992 : index
    %swap3A_1443 = tpu.vector_load %arg8[%swap3A_1441, %swap3A_1442] {strides = array<i32>} : memref<1x1024xf32, #tpu.memory_space<vmem>>, vector<1x16xf32>,
    %swap3A_1444 = vector.shape_cast %swap3A_1443 : vector<1x16xf32> to vector<16xf32>
    %swap3A_1445 = vector.shape_cast %mul3A_1439 : vector<16xf32> to vector<1x16xf32>
    tpu.vector_store %arg8[%swap3A_1441, %swap3A_1442], %swap3A_1445 {strides = array<i32>} : memref<1x1024xf32, #tpu.memory_space<vmem>>, vector<1x16xf32>,
    %get3A_1446 = arith.constant 0 : i32
    %get3A_1447 = arith.index_cast %get3A_1446 : i32 to index
    %get3A_1448 = arith.constant 1008 : index
    %get3A_1449 = tpu.vector_load %arg8[%get3A_1447, %get3A_1448] {strides = array<i32>} : memref<1x1024xf32, #tpu.memory_space<vmem>>, vector<1x16xf32>,
    %get3A_1450 = vector.shape_cast %get3A_1449 : vector<1x16xf32> to vector<16xf32>
    %mul3A_1451 = arith.mulf %get3A_1450, %broadcast_in_dim3A_659 : vector<16xf32>
    %swap3A_1452 = arith.constant 0 : i32
    %swap3A_1453 = arith.index_cast %swap3A_1452 : i32 to index
    %swap3A_1454 = arith.constant 1008 : index
    %swap3A_1455 = tpu.vector_load %arg8[%swap3A_1453, %swap3A_1454] {strides = array<i32>} : memref<1x1024xf32, #tpu.memory_space<vmem>>, vector<1x16xf32>,
    %swap3A_1456 = vector.shape_cast %swap3A_1455 : vector<1x16xf32> to vector<16xf32>
    %swap3A_1457 = vector.shape_cast %mul3A_1451 : vector<16xf32> to vector<1x16xf32>
    tpu.vector_store %arg8[%swap3A_1453, %swap3A_1454], %swap3A_1457 {strides = array<i32>} : memref<1x1024xf32, #tpu.memory_space<vmem>>, vector<1x16xf32>,
    %dma_start3A_1458 = arith.constant 0 : i32
    %dma_start3A_1459 = arith.constant 768 : i32
    %dma_start3A_1460 = tpu.memref_slice %arg8[%dma_start3A_1458, %dma_start3A_1459] : memref<1x1024xf32, #tpu.memory_space<vmem>> -> memref<1x256xf32, #tpu.memory_space<vmem>>
    %dma_start3A_1461 = arith.constant 768 : i32
    %dma_start3A_1462 = tpu.memref_slice %arg4[%arg1, %dma_start3A_1461] : memref<16x1024xf32, #tpu.memory_space<hbm>> -> memref<1x256xf32, #tpu.memory_space<hbm>>
    %dma_start3A_1463 = arith.constant 768 : i32
    %dma_start3A_1464 = tpu.memref_slice %arg4[%arg1, %dma_start3A_1463] : memref<16x1024xf32, #tpu.memory_space<hbm>> -> memref<1x256xf32, #tpu.memory_space<hbm>>
    %dma_start3A_1465 = arith.constant 0 : i32
    %dma_start3A_1466 = arith.constant 768 : i32
    %dma_start3A_1467 = tpu.memref_slice %arg8[%dma_start3A_1465, %dma_start3A_1466] : memref<1x1024xf32, #tpu.memory_space<vmem>> -> memref<1x256xf32, #tpu.memory_space<vmem>>
    tpu.enqueue_dma source(%dma_start3A_1467 : memref<1x256xf32, #tpu.memory_space<vmem>>) target(%dma_start3A_1464 : memref<1x256xf32, #tpu.memory_space<hbm>>) target_semaphore(%arg14 : memref<!tpu.dma_semaphore, #tpu.memory_space<semaphore_mem>>)
    %dma_wait3A_1468 = arith.constant 0 : i32
    %dma_wait3A_1469 = arith.constant 0 : i32
    %dma_wait3A_1470 = tpu.memref_slice %arg8[%dma_wait3A_1468, %dma_wait3A_1469] : memref<1x1024xf32, #tpu.memory_space<vmem>> -> memref<1x256xf32, #tpu.memory_space<vmem>>
    %dma_wait3A_1471 = arith.constant 0 : i32
    %dma_wait3A_1472 = tpu.memref_slice %arg4[%arg1, %dma_wait3A_1471] : memref<16x1024xf32, #tpu.memory_space<hbm>> -> memref<1x256xf32, #tpu.memory_space<hbm>>
    %dma_wait3A_1473 = arith.constant 0 : i32
    %dma_wait3A_1474 = tpu.memref_slice %arg4[%arg1, %dma_wait3A_1473] : memref<16x1024xf32, #tpu.memory_space<hbm>> -> memref<1x256xf32, #tpu.memory_space<hbm>>
    %dma_wait3A_1475 = arith.constant 0 : i32
    %dma_wait3A_1476 = arith.constant 0 : i32
    %dma_wait3A_1477 = tpu.memref_slice %arg8[%dma_wait3A_1475, %dma_wait3A_1476] : memref<1x1024xf32, #tpu.memory_space<vmem>> -> memref<1x256xf32, #tpu.memory_space<vmem>>
    tpu.wait_dma2 semaphore(%arg14 : memref<!tpu.dma_semaphore, #tpu.memory_space<semaphore_mem>>) src(%dma_wait3A_1477 : memref<1x256xf32, #tpu.memory_space<vmem>>) dst(%dma_wait3A_1474 : memref<1x256xf32, #tpu.memory_space<hbm>>)
    %dma_wait3A_1478 = arith.constant 0 : i32
    %dma_wait3A_1479 = arith.constant 256 : i32
    %dma_wait3A_1480 = tpu.memref_slice %arg8[%dma_wait3A_1478, %dma_wait3A_1479] : memref<1x1024xf32, #tpu.memory_space<vmem>> -> memref<1x256xf32, #tpu.memory_space<vmem>>
    %dma_wait3A_1481 = arith.constant 256 : i32
    %dma_wait3A_1482 = tpu.memref_slice %arg4[%arg1, %dma_wait3A_1481] : memref<16x1024xf32, #tpu.memory_space<hbm>> -> memref<1x256xf32, #tpu.memory_space<hbm>>
    %dma_wait3A_1483 = arith.constant 256 : i32
    %dma_wait3A_1484 = tpu.memref_slice %arg4[%arg1, %dma_wait3A_1483] : memref<16x1024xf32, #tpu.memory_space<hbm>> -> memref<1x256xf32, #tpu.memory_space<hbm>>
    %dma_wait3A_1485 = arith.constant 0 : i32
    %dma_wait3A_1486 = arith.constant 256 : i32
    %dma_wait3A_1487 = tpu.memref_slice %arg8[%dma_wait3A_1485, %dma_wait3A_1486] : memref<1x1024xf32, #tpu.memory_space<vmem>> -> memref<1x256xf32, #tpu.memory_space<vmem>>
    tpu.wait_dma2 semaphore(%arg14 : memref<!tpu.dma_semaphore, #tpu.memory_space<semaphore_mem>>) src(%dma_wait3A_1487 : memref<1x256xf32, #tpu.memory_space<vmem>>) dst(%dma_wait3A_1484 : memref<1x256xf32, #tpu.memory_space<hbm>>)
    %dma_wait3A_1488 = arith.constant 0 : i32
    %dma_wait3A_1489 = arith.constant 512 : i32
    %dma_wait3A_1490 = tpu.memref_slice %arg8[%dma_wait3A_1488, %dma_wait3A_1489] : memref<1x1024xf32, #tpu.memory_space<vmem>> -> memref<1x256xf32, #tpu.memory_space<vmem>>
    %dma_wait3A_1491 = arith.constant 512 : i32
    %dma_wait3A_1492 = tpu.memref_slice %arg4[%arg1, %dma_wait3A_1491] : memref<16x1024xf32, #tpu.memory_space<hbm>> -> memref<1x256xf32, #tpu.memory_space<hbm>>
    %dma_wait3A_1493 = arith.constant 512 : i32
    %dma_wait3A_1494 = tpu.memref_slice %arg4[%arg1, %dma_wait3A_1493] : memref<16x1024xf32, #tpu.memory_space<hbm>> -> memref<1x256xf32, #tpu.memory_space<hbm>>
    %dma_wait3A_1495 = arith.constant 0 : i32
    %dma_wait3A_1496 = arith.constant 512 : i32
    %dma_wait3A_1497 = tpu.memref_slice %arg8[%dma_wait3A_1495, %dma_wait3A_1496] : memref<1x1024xf32, #tpu.memory_space<vmem>> -> memref<1x256xf32, #tpu.memory_space<vmem>>
    tpu.wait_dma2 semaphore(%arg14 : memref<!tpu.dma_semaphore, #tpu.memory_space<semaphore_mem>>) src(%dma_wait3A_1497 : memref<1x256xf32, #tpu.memory_space<vmem>>) dst(%dma_wait3A_1494 : memref<1x256xf32, #tpu.memory_space<hbm>>)
    %dma_wait3A_1498 = arith.constant 0 : i32
    %dma_wait3A_1499 = arith.constant 768 : i32
    %dma_wait3A_1500 = tpu.memref_slice %arg8[%dma_wait3A_1498, %dma_wait3A_1499] : memref<1x1024xf32, #tpu.memory_space<vmem>> -> memref<1x256xf32, #tpu.memory_space<vmem>>
    %dma_wait3A_1501 = arith.constant 768 : i32
    %dma_wait3A_1502 = tpu.memref_slice %arg4[%arg1, %dma_wait3A_1501] : memref<16x1024xf32, #tpu.memory_space<hbm>> -> memref<1x256xf32, #tpu.memory_space<hbm>>
    %dma_wait3A_1503 = arith.constant 768 : i32
    %dma_wait3A_1504 = tpu.memref_slice %arg4[%arg1, %dma_wait3A_1503] : memref<16x1024xf32, #tpu.memory_space<hbm>> -> memref<1x256xf32, #tpu.memory_space<hbm>>
    %dma_wait3A_1505 = arith.constant 0 : i32
    %dma_wait3A_1506 = arith.constant 768 : i32
    %dma_wait3A_1507 = tpu.memref_slice %arg8[%dma_wait3A_1505, %dma_wait3A_1506] : memref<1x1024xf32, #tpu.memory_space<vmem>> -> memref<1x256xf32, #tpu.memory_space<vmem>>
    tpu.wait_dma2 semaphore(%arg14 : memref<!tpu.dma_semaphore, #tpu.memory_space<semaphore_mem>>) src(%dma_wait3A_1507 : memref<1x256xf32, #tpu.memory_space<vmem>>) dst(%dma_wait3A_1504 : memref<1x256xf32, #tpu.memory_space<hbm>>)
    return
  }
}

</mosaic_0001>

<sc_bundles>
// kernel: kernel.3.cloned.1.call-start
scs
__scs_entry_jumppad:
0x0: {  	(pc) =	sbr.rel $0x88, $3  }
0x1: {  	(tag) =	ssettag $0x0;
	lr =	simm.s32 $0x1  }
0x2: {  	[smem:$0x3F9F] =	sst lr;
	_ =	strace $0xD0000000  }
0x3: {  	_ = 	snop  }
0x4: {  	_ = 	snop  }
0x5: {  	_ = 	snop  }
0x6: {  	_ = 	snop  }
0x7: {  	_ = 	snop  }
__scs_overlays_trampoline_lowered:
0x8: {  	[smem:$0x3FAE] =	sst s0  }
0x9: {  	[smem:$0x3FAF] =	sst s1  }
0xa: {  	[smem:$0x3FB0] =	sst s2  }
0xb: {  	[smem:$0x3FB1] =	sst s3  }
0xc: {  	[smem:$0x3FB2] =	sst s4  }
0xd: {  	[smem:$0x3FB3] =	sst s5  }
0xe: {  	[smem:$0x3FB4] =	sst s6  }
0xf: {  	[smem:$0x3FB5] =	sst s7  }
0x10: {  	[smem:$0x3FB6] =	sst s8  }
0x11: {  	[smem:$0x3FB7] =	sst s9;
	s0 =	simm.s32 @!p0 $0x0  }
0x12: {  	s1 =	sld [smem:$0x3F9D];
	s0 =	simm.s32 @p0 $0x1  }
0x13: {  	[smem:$0x3FB8] =	sst s0;
	s0 =	simm.s32 @!p1 $0x0  }
0x14: {  	s2 =	sld [smem:$0x3F9C];
	s0 =	simm.s32 @p1 $0x1  }
0x15: {  	[smem:$0x3FB9] =	sst s0;
	s0 =	simm.s32 @!p2 $0x0  }
0x16: {  	s3 =	sld [smem:$0x3FDB];
	s0 =	simm.s32 @p2 $0x1  }
0x17: {  	s4 =	simm.s32 $0x1BF5;
	[smem:$0x3FBB] =	sst s0  }
0x18: {  	s0 =	sld [smem:$0x3F9E];
	_ =	swait.ge [sflag:s4], $0x0  }
0x19: {  	s7 =	sld [smem:$0x3F9F]  }
0x1a: {  	s8 =	sadd.s32 $0xFFFFE003, lr  }
0x1b: {  	s9 =	sadd.s32 $0xFFFFFEF7, lr;
	s5 =	simm.s32 $0xFFFFFFFF;
	p2 =	slt.u32 s8, $0xFFFFF086  }
0x1c: {  	p1 =	slt.u32 s9, $0xF7A;
	s5 =	simm.s32 @!p2 $0x0  }
0x1d: {  	s5 =	simm.s32 @p1 $0x1;
	p0 =	seq.s32 s7, s2  }
0x1e: {  	s7 =	smul.u32 @!p0 $0xF7A, s2;
	p2 =	seq.s32 @!p0 s5, $0x0  }
0x1f: {  	s9 =	smul.u32 $0xF7A, s1;
	s8 =	simm.s32 @!p0 $0x1BF5;
	p2 =	por !p2, p0  }
0x20: {  	[sflag:s8] =	ssyncset.s32 @!p0 $0xFFFFF086;
	s6 =	sadd.s32 @!p0 s3, s7;
	s7 =	simm.s32 @!p0 $0x108  }
0x21: {  	s3 =	sadd.s32 s3, s9;
	s6 =	sadd.s32 @!p0 $0x88, s6;
	s7 =	simm.s32 @p2 $0x1082  }
0x22: {  	[simem:s7], [sflag:s8] =	dma.local @!p0 [hbm:s6], $0xF7A  }
0x23: {  	s9 =	sor.u32 $0xD0000000, s2;
	s6 =	simm.s32 $0x108;
	_ =	swait.ge @!p0 [sflag:s8], $0x0  }
0x24: {  	s3 =	sadd.s32 $0x88, s3;
	s6 =	simm.s32 @!p1 $0x1082;
	[sflag:s4] =	ssyncset.s32 $0xFFFFF086  }
0x25: {  	[simem:s6], [sflag:s4] =	dma.local [hbm:s3], $0xF7A  }
0x26: {  	[smem:$0x3F9F] =	sst s1;
	(tag) =	ssettag s2;
	_ =	strace s9  }
0x27: {  	s1 =	sld [smem:$0x3FAF]  }
0x28: {  	s2 =	sld [smem:$0x3FB0]  }
0x29: {  	s4 =	sld [smem:$0x3FB2]  }
0x2a: {  	p0 =	seq.s32 s5, $0x0;
	s5 =	sld [smem:$0x3FB3]  }
0x2b: {  	s6 =	sld [smem:$0x3FB4]  }
0x2c: {  	s7 =	sld [smem:$0x3FB5]  }
0x2d: {  	s3 =	simm.s32 $0x108;
	s8 =	sld [smem:$0x3FB6]  }
0x2e: {  	s3 =	simm.s32 @!p0 $0x1082;
	s9 =	sld [smem:$0x3FB7]  }
0x2f: {  	lr =	sadd.s32 s0, s3;
	s0 =	sld [smem:$0x3FAE]  }
0x30: {  	s3 =	sld [smem:$0x3FB1]  }
0x31: {  	[smem:$0x3FBA] =	sst s10  }
0x32: {  	s10 =	sld [smem:$0x3FB8];
	_ =	sdelay $0x3  }
0x33: {  	p0 =	seq.s32 s10, $0x1;
	s10 =	sld [smem:$0x3FBA];
	_ =	sdelay $0x3  }
0x34: {  	[smem:$0x3FBA] =	sst s10  }
0x35: {  	s10 =	sld [smem:$0x3FB9];
	_ =	sdelay $0x3  }
0x36: {  	p1 =	seq.s32 s10, $0x1;
	s10 =	sld [smem:$0x3FBA];
	_ =	sdelay $0x3  }
0x37: {  	[smem:$0x3FBA] =	sst s10  }
0x38: {  	s10 =	sld [smem:$0x3FBB]  }
0x39: {  	_ = 	snop;
	(pc) =	sbr.ind lr, $3  }
0x3a: {  	_ = 	snop  }
0x3b: {  	_ = 	snop  }
0x3c: {  	p2 =	seq.s32 s10, $0x1;
	s10 =	sld [smem:$0x3FBA]  }
0x3d: {  	_ =	shalt  }
0x3e: {  	_ =	shalt  }
0x3f: {  	_ =	shalt  }
0x40: {  	_ =	shalt  }
0x41: {  	_ =	shalt  }
0x42: {  	_ =	shalt  }
0x43: {  	_ =	shalt  }
0x44: {  	_ =	shalt  }
0x45: {  	_ =	shalt  }
0x46: {  	_ =	shalt  }
0x47: {  	_ =	shalt  }
0x48: {  	_ =	shalt  }
0x49: {  	_ =	shalt  }
0x4a: {  	_ =	shalt  }
0x4b: {  	_ =	shalt  }
0x4c: {  	_ =	shalt  }
0x4d: {  	_ =	shalt  }
0x4e: {  	_ =	shalt  }
0x4f: {  	_ =	shalt  }
0x50: {  	_ =	shalt  }
0x51: {  	_ =	shalt  }
0x52: {  	_ =	shalt  }
0x53: {  	_ =	shalt  }
0x54: {  	_ =	shalt  }
0x55: {  	_ =	shalt  }
0x56: {  	_ =	shalt  }
0x57: {  	_ =	shalt  }
0x58: {  	_ =	shalt  }
0x59: {  	_ =	shalt  }
0x5a: {  	_ =	shalt  }
0x5b: {  	_ =	shalt  }
0x5c: {  	_ =	shalt  }
0x5d: {  	_ =	shalt  }
0x5e: {  	_ =	shalt  }
0x5f: {  	_ =	shalt  }
0x60: {  	_ =	shalt  }
0x61: {  	_ =	shalt  }
0x62: {  	_ =	shalt  }
0x63: {  	_ =	shalt  }
0x64: {  	_ =	shalt  }
0x65: {  	_ =	shalt  }
0x66: {  	_ =	shalt  }
0x67: {  	_ =	shalt  }
0x68: {  	_ =	shalt  }
0x69: {  	_ =	shalt  }
0x6a: {  	_ =	shalt  }
0x6b: {  	_ =	shalt  }
0x6c: {  	_ =	shalt  }
0x6d: {  	_ =	shalt  }
0x6e: {  	_ =	shalt  }
0x6f: {  	_ =	shalt  }
0x70: {  	_ =	shalt  }
0x71: {  	_ =	shalt  }
0x72: {  	_ =	shalt  }
0x73: {  	_ =	shalt  }
0x74: {  	_ =	shalt  }
0x75: {  	_ =	shalt  }
0x76: {  	_ =	shalt  }
0x77: {  	_ =	shalt  }
0x78: {  	_ =	shalt  }
0x79: {  	_ =	shalt  }
0x7a: {  	_ =	shalt  }
0x7b: {  	_ =	shalt  }
0x7c: {  	_ =	shalt  }
0x7d: {  	_ =	shalt  }
0x7e: {  	_ =	shalt  }
0x7f: {  	_ =	shalt  }
0x80: {  	_ =	shalt  }
0x81: {  	_ =	shalt  }
0x82: {  	_ =	shalt  }
0x83: {  	_ =	shalt  }
0x84: {  	_ =	shalt  }
0x85: {  	_ =	shalt  }
0x86: {  	_ =	shalt  }
0x87: {  	_ =	shalt  }
.Lfunc_end0:
.L_simem_size_0:
called_computation_lowered:
.L_overlay_start_0:
0x88: {  	s0 =	sld [smem:$0x3FD9]  }
0x89: {  	s1 =	sld [smem:$0x3FFE];
	_ =	sdelay $0x3  }
0x8a: {  	s0 =	sadd.s32 s1, s0  }
0x8b: {  	[smem:$0x3FC6] =	sst s0  }
0x8c: {  	_ = 	snop  }
0x8d: {  	s0 =	sld [smem:$0x3FC9]  }
0x8e: {  	s17 =	sld [smem:$0x3FC8]  }
0x8f: {  	s2 =	sld [smem:$0x3FD0];
	(tm) =	ssettm $0x1  }
0x90: {  	s3 =	sld [smem:$0x3FFB];
	_ =	sdelay $0x3  }
0x91: {  	_ =	strace s3  }
0x92: {  	s3 =	sld [smem:$0x3FFC];
	_ =	sdelay $0x3  }
0x93: {  	_ =	strace s3  }
0x94: {  	s3 =	sld [smem:$0x3FFD];
	_ =	sdelay $0x3  }
0x95: {  	_ =	strace s3  }
0x96: {  	_ =	strace $0x8FFFFFFF  }
0x97: {  	s18 =	sld [smem:$0x3FDB];
	_ =	sdelay $0x1  }
0x98: {  	s4 =	simm.s32 $_scs_section_size  }
0x99: {  	s5 =	simm.s32 $_size__tile_overlayer_lowered;
	s6 =	simm.s32 $_tile_overlayer_lowered  }
0x9a: {  	s21 =	simm.s32 $0x1BFF;
	s20 =	sshll.u32 s6, $0x1;
	s3 =	sadd.s32 s4, s18  }
0x9b: {  	s7 =	simm.s32 $0x0;
	s19 =	sshll.u32 s5, $0x1;
	s5 =	sadd.s32 s20, s3  }
0x9c: {  	[timem:s7], [sflag:s21] =	dma.local [hbm:s5], s19  }
0x9d: {  	_ =	swait.ge [sflag:s21], s19  }
0x9e: {  	s4 =	ssub.s32 $0x0, s19;
	[sflag:s21] =	ssyncset.done $0x0  }
0x9f: {  	[sflag:s21] =	ssyncadd.s32 s4;
	_ =	sdelay $0x1  }
0xa0: {  	s22 =	simm.s32 $0x1B8B  }
0xa1: {  	_ =	swait.ge [sflag:s22], $0x1  }
0xa2: {  	[sflag:s22] =	ssyncset.done $0x0  }
0xa3: {  	s23 =	simm.s32 $0x1B8E;
	[sflag:s22] =	ssyncadd.s32 $0xFFFFFFFF  }
0xa4: {  	s24 =	simm.s32 $execute0_lowered;
	[smem:$0x3FD2] =	sst s23  }
0xa5: {  	s4 =	sshll.u32 s24, $0x1;
	_ =	strace $0x80000046;
	[dreg:$0x1] =	wrdreg $0xFFFFFFFF  }
0xa6: {  	s25 =	simm.s32 $_size_execute0_lowered;
	s3 =	sadd.s32 s3, s4;
	[dreg:$0x0] =	wrdreg $0x0  }
0xa7: {  	s4 =	sshll.u32 s25, $0x1;
	[dreg:$0x2] =	wrdreg s3  }
0xa8: {  	[dreg:$0x3] =	wrdreg s4  }
0xa9: {  	[dreg:$0x4] =	wrdreg $0xC0  }
0xaa: {  	_ =	task [dreg:s7], $0x5FFFF  }
0xab: {  	[dreg:$0x1] =	wrdreg $0xFFFFFFFF  }
0xac: {  	[dreg:$0x0] =	wrdreg $0x60  }
0xad: {  	[dreg:$0x2] =	wrdreg s0  }
0xae: {  	[dreg:$0x3] =	wrdreg s17  }
0xaf: {  	[dreg:$0x4] =	wrdreg s2  }
0xb0: {  	[dreg:$0x5] =	wrdreg $0x9  }
0xb1: {  	_ =	task.clear_ibuf [dreg:s7], $0x6FFFF;
	_ =	strace $0x90000046  }
0xb2: {  	s26 =	simm.s32 $0x9;
	_ =	strace $0x80000048  }
0xb3: {  	_ =	swait.ge [sflag:s26], $0x1  }
0xb4: {  	[sflag:s26] =	ssyncadd.s32 $0xFFFFFFFF  }
0xb5: {  	_ =	strace $0x90000048  }
0xb6: {  	_ =	sfence  }
0xb7: {  	s28 =	sld [smem:$0x0];
	_ =	sdelay $0x1  }
0xb8: {  	s29 =	srdreg.scid  }
0xb9: {  	s30 =	sshll.u32 s29, $0xD;
	s31 =	sshrl.u32 s29, $0x2  }
0xba: {  	s1 =	sand.u32 $0x1, s29;
	s2 =	sand.u32 $0x4000, s30;
	s0 =	sadd.s32 s31, s28  }
0xbb: {  	s1 =	sor.u32 s2, s1;
	s0 =	sshll.u32 s0, $0x11  }
0xbc: {  	s0 =	sor.u32 s0, s1  }
0xbd: {  	s0 =	sadd.s32 $0x8F2B, s0  }
0xbe: {  	[sflag:s0] =	ssyncadd.remote.s32 $0x1  }
0xbf: {  	_ =	sfence.sel $0xFFFF  }
0xc0: {  	[dreg:$0x0] =	wrdreg $0xFFFFFFFF;
	(pc) =	sbr.abs _section_cstart, $3  }
0xc1: {  	[dreg:$0x1] =	wrdreg $0xFFFFFFFF  }
0xc2: {  	_ =	task.clear_ibuf [dreg:s7], $0x2FFFF;
	_ =	strace $0x9FFFFFFF  }
0xc3: {  	(tm) =	ssettm $0x7FFFFFFF  }
tec
execute0_lowered:
.L_overlay_start_1:
0x0: {  	(tag) =	ssettag $0x1  }
0x1: {  	s2 =	rddreg [dreg:$0x0]  }
0x2: {  	s1 =	rddreg [dreg:$0x1]  }
0x3: {  	s7 =	rddreg [dreg:$0x2];
	s3 =	simm.s32 $0x0  }
0x4: {  	[smem:$0x7FF] =	sst s3  }
0x5: {  	s0 =	rddreg [dreg:$0x3];
	_ =	strace $0x80000047  }
0x6: {  	v0 =	vimm.s32 $0x0;
	[tilespmem:s3], [sflag:$0x1] =	stream.linear.gather [hbm4b:s1+s3], $0x80, $0x38;
	[tilespmem:$0x580] =	vst v63  }
0x7: {  	[tilespmem:$0x80] =	vst v0  }
0x8: {  	v43 =	vimm.f32 $0.0e+00;
	[tilespmem:$0xA0] =	vst v0  }
0x9: {  	s11 =	simm.s32 $0x1;
	[tilespmem:$0x110] =	vst v43  }
0xa: {  	_ =	swait.ge [sflag:s11], $0x80  }
0xb: {  	[sflag:s11] =	ssyncset.done $0x0  }
0xc: {  	[sflag:s11] =	ssyncadd.s32 $0xFFFFFF80  }
0xd: {  	v44 =	vld [tilespmem:$0x0];
	_ =	sdelay $0x4  }
0xe: {  	[tilespmem:$0x90] =	vst v44  }
0xf: {  	v1 =	vld [tilespmem:$0x8F];
	_ =	sdelay $0x4  }
0x10: {  	v0 =	vadd.s32 v44, v1  }
0x11: {  	[tilespmem:$0x90] =	vst v0  }
0x12: {  	v45 =	vld [tilespmem:$0x8E];
	_ =	sdelay $0x4  }
0x13: {  	v0 =	vadd.s32 v0, v45  }
0x14: {  	[tilespmem:$0x90] =	vst v0  }
0x15: {  	v46 =	vld [tilespmem:$0x8C];
	_ =	sdelay $0x4  }
0x16: {  	v0 =	vadd.s32 v0, v46  }
0x17: {  	[tilespmem:$0x90] =	vst v0  }
0x18: {  	v47 =	vld [tilespmem:$0x88];
	_ =	sdelay $0x4  }
0x19: {  	v0 =	vadd.s32 v0, v47  }
0x1a: {  	v1 =	vadd.s32 $0xFFFFFFFF, v0  }
0x1b: {  	v0 =	vadd.s32 $0x7FFF, v0;
	vm0 =	vlt.s32 v1, $0x0  }
0x1c: {  	v0 =	vsel vm0, v0, v1  }
0x1d: {  	s1 =	stileid.u32;
	[tilespmem:$0x90] =	vst v0  }
0x1e: {  	v0 =	vld [tilespmem:s1+$0x90];
	_ =	sdelay $0x4  }
0x1f: {  	(v2sf) =	vpush v0, $0x0;
	_ =	sdelay $0xe  }
0x20: {  	s12 =	spop (v2sf)  }
0x21: {  	s4 =	sshll.u32 s12, $0xA;
	s3 =	sshll.u32 s12, $0x7  }
0x22: {  	s4 =	sand.u32 $0xFFFFE000, s4;
	s3 =	sand.u32 $0x380, s3  }
0x23: {  	s3 =	sor.u32 s3, s4  }
0x24: {  	s14 =	simm.s32 $0x80;
	s3 =	sshrl.u32 s3, $0x3  }
0x25: {  	s15 =	simm.s32 $0x400;
	s8 =	simm.s32 $0x180;
	s13 =	sadd.s32 s2, s3  }
0x26: {  	[tilespmem:s8], [sflag:$0x2] =	stream.strided.gather [hbm4b:s13+s14], $0x100, s15, s14, $0x38;
	[tilespmem:$0x580] =	vst v63  }
0x27: {  	s6 =	simm.s32 $0x280;
	s5 =	sadd.s32 $0x100, s13  }
0x28: {  	[tilespmem:s6], [sflag:$0x3] =	stream.strided.gather [hbm4b:s5+s14], $0x100, s15, s14, $0x38;
	[tilespmem:$0x580] =	vst v63  }
0x29: {  	s16 =	simm.s32 $0x380;
	s9 =	sadd.s32 $0x200, s13  }
0x2a: {  	[tilespmem:s16], [sflag:$0x4] =	stream.strided.gather [hbm4b:s9+s14], $0x100, s15, s14, $0x38;
	[tilespmem:$0x580] =	vst v63  }
0x2b: {  	s18 =	simm.s32 $0x480;
	s19 =	simm.s32 $0x2;
	s17 =	sadd.s32 $0x300, s13  }
0x2c: {  	[tilespmem:s18], [sflag:$0x5] =	stream.strided.gather [hbm4b:s17+s14], $0x100, s15, s14, $0x38;
	[tilespmem:$0x580] =	vst v63  }
0x2d: {  	_ =	swait.ge [sflag:s19], $0x100  }
0x2e: {  	[sflag:s19] =	ssyncset.done $0x0  }
0x2f: {  	[sflag:s19] =	ssyncadd.s32 $0xFFFFFF00  }
0x30: {  	v48 =	vld [tilespmem:$0x180]  }
0x31: {  	v49 =	vld [tilespmem:$0x190]  }
0x32: {  	v2 =	vld [tilespmem:$0x1A0]  }
0x33: {  	v3 =	vld [tilespmem:$0x1B0]  }
0x34: {  	v4 =	vld [tilespmem:$0x1C0]  }
0x35: {  	v5 =	vld [tilespmem:$0x1D0]  }
0x36: {  	v6 =	vld [tilespmem:$0x1E0]  }
0x37: {  	v7 =	vld [tilespmem:$0x1F0]  }
0x38: {  	v8 =	vld [tilespmem:$0x200]  }
0x39: {  	v9 =	vld [tilespmem:$0x210]  }
0x3a: {  	v10 =	vld [tilespmem:$0x220]  }
0x3b: {  	v11 =	vld [tilespmem:$0x230]  }
0x3c: {  	v12 =	vld [tilespmem:$0x240]  }
0x3d: {  	v13 =	vld [tilespmem:$0x250]  }
0x3e: {  	s20 =	simm.s32 $0x3;
	v14 =	vld [tilespmem:$0x260]  }
0x3f: {  	v15 =	vld [tilespmem:$0x270];
	_ =	swait.ge [sflag:s20], $0x100  }
0x40: {  	[sflag:s20] =	ssyncset.done $0x0  }
0x41: {  	[sflag:s20] =	ssyncadd.s32 $0xFFFFFF00  }
0x42: {  	v16 =	vld [tilespmem:$0x280]  }
0x43: {  	v17 =	vld [tilespmem:$0x290]  }
0x44: {  	v18 =	vld [tilespmem:$0x2A0]  }
0x45: {  	v19 =	vld [tilespmem:$0x2B0]  }
0x46: {  	v20 =	vld [tilespmem:$0x2C0]  }
0x47: {  	v21 =	vld [tilespmem:$0x2D0]  }
0x48: {  	v22 =	vld [tilespmem:$0x2E0]  }
0x49: {  	v23 =	vld [tilespmem:$0x2F0]  }
0x4a: {  	v24 =	vld [tilespmem:$0x300]  }
0x4b: {  	v25 =	vld [tilespmem:$0x310]  }
0x4c: {  	v26 =	vld [tilespmem:$0x320]  }
0x4d: {  	v27 =	vld [tilespmem:$0x330]  }
0x4e: {  	v28 =	vld [tilespmem:$0x340]  }
0x4f: {  	v29 =	vld [tilespmem:$0x350];
	v0 =	vmul.f32 v48, v48  }
0x50: {  	s21 =	simm.s32 $0x4;
	v30 =	vld [tilespmem:$0x360];
	v1 =	vmul.f32 v49, v49;
	v2 =	vmul.f32 v2, v2  }
0x51: {  	v31 =	vld [tilespmem:$0x370];
	_ =	swait.ge [sflag:s21], $0x100;
	v4 =	vmul.f32 v4, v4;
	v3 =	vmul.f32 v3, v3  }
0x52: {  	[sflag:s21] =	ssyncset.done $0x0;
	v5 =	vmul.f32 v5, v5;
	v50 =	vmul.f32 v6, v6  }
0x53: {  	[sflag:s21] =	ssyncadd.s32 $0xFFFFFF00;
	v51 =	vmul.f32 v7, v7;
	v52 =	vmul.f32 v8, v8  }
0x54: {  	v53 =	vmul.f32 v9, v9;
	v54 =	vmul.f32 v10, v10;
	v32 =	vld [tilespmem:$0x380]  }
0x55: {  	v55 =	vmul.f32 v11, v11;
	v56 =	vmul.f32 v12, v12;
	v33 =	vld [tilespmem:$0x390]  }
0x56: {  	v57 =	vmul.f32 v13, v13;
	v58 =	vmul.f32 v14, v14;
	v7 =	vld [tilespmem:$0x3A0]  }
0x57: {  	v59 =	vmul.f32 v15, v15;
	v9 =	vld [tilespmem:$0x3B0];
	v60 =	vmul.f32 v16, v16  }
0x58: {  	v6 =	vld [tilespmem:$0x3C0];
	v61 =	vmul.f32 v17, v17;
	v62 =	vmul.f32 v18, v18  }
0x59: {  	v8 =	vld [tilespmem:$0x3D0];
	v63 =	vmul.f32 v19, v19;
	v20 =	vmul.f32 v20, v20  }
0x5a: {  	v11 =	vld [tilespmem:$0x3E0];
	v0 =	vadd.f32 v4, v0;
	v21 =	vmul.f32 v21, v21;
	v35 =	vmul.f32 v22, v22  }
0x5b: {  	v13 =	vld [tilespmem:$0x3F0];
	v1 =	vadd.f32 v5, v1;
	v37 =	vmul.f32 v23, v23;
	v39 =	vmul.f32 v24, v24  }
0x5c: {  	v10 =	vld [tilespmem:$0x400];
	v2 =	vadd.f32 v50, v2;
	v40 =	vmul.f32 v25, v25;
	v42 =	vmul.f32 v26, v26  }
0x5d: {  	v12 =	vld [tilespmem:$0x410];
	v3 =	vadd.f32 v51, v3;
	v43 =	vmul.f32 v27, v27;
	v45 =	vmul.f32 v28, v28  }
0x5e: {  	v15 =	vld [tilespmem:$0x420];
	v46 =	vmul.f32 v29, v29;
	v47 =	vmul.f32 v30, v30;
	v0 =	vadd.f32 v52, v0  }
0x5f: {  	v34 =	vld [tilespmem:$0x430];
	v48 =	vmul.f32 v31, v31;
	v1 =	vadd.f32 v53, v1;
	v2 =	vadd.f32 v54, v2  }
0x60: {  	v36 =	vld [tilespmem:$0x440];
	v3 =	vadd.f32 v55, v3;
	v49 =	vmul.f32 v32, v32;
	v50 =	vmul.f32 v33, v33  }
0x61: {  	v38 =	vld [tilespmem:$0x450];
	v0 =	vadd.f32 v56, v0;
	v52 =	vmul.f32 v7, v7;
	v54 =	vmul.f32 v9, v9  }
0x62: {  	s22 =	simm.s32 $0x5;
	v41 =	vld [tilespmem:$0x460];
	v1 =	vadd.f32 v57, v1;
	v56 =	vmul.f32 v6, v6;
	v57 =	vmul.f32 v8, v8  }
0x63: {  	v44 =	vld [tilespmem:$0x470];
	_ =	swait.ge [sflag:s22], $0x100;
	v3 =	vadd.f32 v59, v3;
	v59 =	vmul.f32 v11, v11;
	v18 =	vmul.f32 v12, v12  }
0x64: {  	[sflag:s22] =	ssyncset.done $0x0;
	v2 =	vadd.f32 v58, v2;
	v23 =	vmul.f32 v15, v15;
	v24 =	vmul.f32 v34, v34  }
0x65: {  	[sflag:s22] =	ssyncadd.s32 $0xFFFFFF00;
	v26 =	vmul.f32 v36, v36;
	v0 =	vadd.f32 v60, v0;
	v1 =	vadd.f32 v61, v1  }
0x66: {  	v51 =	vld [tilespmem:$0x480];
	v27 =	vmul.f32 v38, v38;
	v2 =	vadd.f32 v62, v2;
	v3 =	vadd.f32 v63, v3  }
0x67: {  	v53 =	vld [tilespmem:$0x490];
	v29 =	vmul.f32 v41, v41;
	v0 =	vadd.f32 v20, v0;
	v1 =	vadd.f32 v21, v1  }
0x68: {  	v28 =	vld [tilespmem:$0x500];
	v31 =	vmul.f32 v44, v44;
	v2 =	vadd.f32 v35, v2;
	v3 =	vadd.f32 v37, v3  }
0x69: {  	v30 =	vld [tilespmem:$0x510];
	v60 =	vmul.f32 v13, v13;
	v0 =	vadd.f32 v39, v0;
	v1 =	vadd.f32 v40, v1  }
0x6a: {  	v55 =	vld [tilespmem:$0x4A0];
	v62 =	vmul.f32 v10, v10;
	v2 =	vadd.f32 v42, v2;
	v3 =	vadd.f32 v43, v3  }
0x6b: {  	v58 =	vld [tilespmem:$0x4B0];
	v33 =	vmul.f32 v51, v51;
	v0 =	vadd.f32 v45, v0;
	v1 =	vadd.f32 v46, v1  }
0x6c: {  	v25 =	vld [tilespmem:$0x4F0];
	v7 =	vmul.f32 v53, v53;
	v2 =	vadd.f32 v47, v2;
	v3 =	vadd.f32 v48, v3  }
0x6d: {  	v61 =	vld [tilespmem:$0x4C0];
	v44 =	vmul.f32 v28, v28;
	v0 =	vadd.f32 v49, v0;
	v1 =	vadd.f32 v50, v1  }
0x6e: {  	v63 =	vld [tilespmem:$0x4D0];
	v11 =	vmul.f32 v30, v30;
	v2 =	vadd.f32 v52, v2;
	v3 =	vadd.f32 v54, v3  }
0x6f: {  	v32 =	vld [tilespmem:$0x520];
	v35 =	vmul.f32 v55, v55;
	v0 =	vadd.f32 v56, v0;
	v1 =	vadd.f32 v57, v1  }
0x70: {  	v34 =	vld [tilespmem:$0x530];
	v8 =	vmul.f32 v58, v58;
	v2 =	vadd.f32 v59, v2;
	v3 =	vadd.f32 v60, v3  }
0x71: {  	v20 =	vld [tilespmem:$0x4E0];
	v42 =	vmul.f32 v25, v25;
	v0 =	vadd.f32 v62, v0;
	v1 =	vadd.f32 v18, v1  }
0x72: {  	v36 =	vld [tilespmem:$0x540];
	v37 =	vmul.f32 v61, v61;
	v2 =	vadd.f32 v23, v2;
	v3 =	vadd.f32 v24, v3  }
0x73: {  	v40 =	vld [tilespmem:$0x560];
	v39 =	vmul.f32 v63, v63;
	v0 =	vadd.f32 v26, v0;
	v1 =	vadd.f32 v27, v1  }
0x74: {  	v38 =	vld [tilespmem:$0x550];
	v45 =	vmul.f32 v32, v32;
	v2 =	vadd.f32 v29, v2;
	v3 =	vadd.f32 v31, v3  }
0x75: {  	v43 =	vld [tilespmem:$0x570];
	v46 =	vmul.f32 v34, v34;
	v0 =	vadd.f32 v33, v0;
	v1 =	vadd.f32 v7, v1  }
0x76: {  	v41 =	vmul.f32 v20, v20;
	v2 =	vadd.f32 v35, v2;
	v3 =	vadd.f32 v8, v3  }
0x77: {  	v47 =	vmul.f32 v36, v36;
	v0 =	vadd.f32 v37, v0;
	v1 =	vadd.f32 v39, v1  }
0x78: {  	v48 =	vmul.f32 v40, v40;
	v2 =	vadd.f32 v41, v2;
	v3 =	vadd.f32 v42, v3  }
0x79: {  	v7 =	vmul.f32 v38, v38;
	v0 =	vadd.f32 v44, v0;
	v1 =	vadd.f32 v11, v1  }
0x7a: {  	v49 =	vmul.f32 v43, v43;
	v2 =	vadd.f32 v45, v2;
	v3 =	vadd.f32 v46, v3  }
0x7b: {  	v0 =	vadd.f32 v47, v0;
	v1 =	vadd.f32 v7, v1  }
0x7c: {  	v2 =	vadd.f32 v48, v2;
	v3 =	vadd.f32 v49, v3;
	_ =	sdelay $0x1  }
0x7d: {  	v0 =	vadd.f32 v1, v0;
	v50 =	vadd.f32 v3, v2;
	_ =	sdelay $0x1  }
0x7e: {  	v0 =	vadd.f32 v50, v0;
	_ =	sdelay $0x1  }
0x7f: {  	[tilespmem:$0x100] =	vst v0  }
0x80: {  	v51 =	vld [tilespmem:$0x108];
	_ =	sdelay $0x4  }
0x81: {  	v0 =	vadd.f32 v0, v51;
	_ =	sdelay $0x1  }
0x82: {  	[tilespmem:$0x100] =	vst v0  }
0x83: {  	v52 =	vld [tilespmem:$0x104];
	_ =	sdelay $0x4  }
0x84: {  	v0 =	vadd.f32 v0, v52;
	_ =	sdelay $0x1  }
0x85: {  	[tilespmem:$0x100] =	vst v0  }
0x86: {  	v53 =	vld [tilespmem:$0x102];
	_ =	sdelay $0x4  }
0x87: {  	v0 =	vadd.f32 v53, v0;
	_ =	sdelay $0x1  }
0x88: {  	[tilespmem:$0x100] =	vst v0  }
0x89: {  	v54 =	vld [tilespmem:$0x101];
	_ =	sdelay $0x3  }
0x8a: {  	(v2sf) =	vpush v0, $0x0  }
0x8b: {  	(v2sf) =	vpush v54, $0x0;
	_ =	sdelay $0xd  }
0x8c: {  	s23 =	spop (v2sf)  }
0x8d: {  	s10 =	spop (v2sf)  }
0x8e: {  	s9 =	sadd.f32 s10, s23;
	_ =	sdelay $0x1  }
0x8f: {  	s9 =	smax.f32 s9, $1.000000020e-24  }
0x90: {  	s24 =	sshra.s32 s9, $0x1;
	s9 =	smul.f32 $5.000000000e-01, s9  }
0x91: {  	s10 =	ssub.s32 $0x5F3759DF, s24  }
0x92: {  	s11 =	smul.f32 s10, s9;
	_ =	sdelay $0x1  }
0x93: {  	s11 =	smul.f32 s10, s11;
	_ =	sdelay $0x1  }
0x94: {  	s11 =	ssub.f32 $1.500000000e+00, s11;
	_ =	sdelay $0x1  }
0x95: {  	s10 =	smul.f32 s10, s11;
	_ =	sdelay $0x1  }
0x96: {  	s11 =	smul.f32 s10, s9;
	_ =	sdelay $0x1  }
0x97: {  	s11 =	smul.f32 s11, s10;
	_ =	sdelay $0x1  }
0x98: {  	s11 =	ssub.f32 $1.500000000e+00, s11;
	_ =	sdelay $0x1  }
0x99: {  	s10 =	smul.f32 s11, s10;
	_ =	sdelay $0x1  }
0x9a: {  	s9 =	smul.f32 s10, s9;
	_ =	sdelay $0x1  }
0x9b: {  	s9 =	smul.f32 s9, s10  }
0x9c: {  	v55 =	vld [tilespmem:$0x180]  }
0x9d: {  	v56 =	vld [tilespmem:$0x190];
	s9 =	ssub.f32 $1.500000000e+00, s9  }
0x9e: {  	v57 =	vld [tilespmem:$0x1A0]  }
0x9f: {  	v58 =	vld [tilespmem:$0x1B0];
	s9 =	smul.f32 s9, s10  }
0xa0: {  	v59 =	vld [tilespmem:$0x1C0]  }
0xa1: {  	v60 =	vld [tilespmem:$0x1D0];
	v0 =	vmul.f32 s9, v55  }
0xa2: {  	v61 =	vld [tilespmem:$0x1E0];
	v1 =	vmul.f32 s9, v56  }
0xa3: {  	v63 =	vld [tilespmem:$0x1F0];
	v62 =	vmul.f32 s9, v57;
	[tilespmem:$0x180] =	vst v0  }
0xa4: {  	v9 =	vld [tilespmem:$0x200];
	v8 =	vmul.f32 s9, v58;
	[tilespmem:$0x190] =	vst v1  }
0xa5: {  	v11 =	vld [tilespmem:$0x210];
	v10 =	vmul.f32 s9, v59;
	[tilespmem:$0x1A0] =	vst v62  }
0xa6: {  	v13 =	vld [tilespmem:$0x220];
	v12 =	vmul.f32 s9, v60;
	[tilespmem:$0x1B0] =	vst v8  }
0xa7: {  	v15 =	vld [tilespmem:$0x230];
	v14 =	vmul.f32 s9, v61;
	[tilespmem:$0x1C0] =	vst v10  }
0xa8: {  	v17 =	vld [tilespmem:$0x240];
	v16 =	vmul.f32 s9, v63;
	[tilespmem:$0x1D0] =	vst v12  }
0xa9: {  	v19 =	vld [tilespmem:$0x250];
	v18 =	vmul.f32 s9, v9;
	[tilespmem:$0x1E0] =	vst v14  }
0xaa: {  	v21 =	vld [tilespmem:$0x260];
	v20 =	vmul.f32 s9, v11;
	[tilespmem:$0x1F0] =	vst v16  }
0xab: {  	v23 =	vld [tilespmem:$0x270];
	v22 =	vmul.f32 s9, v13;
	[tilespmem:$0x200] =	vst v18  }
0xac: {  	v24 =	vmul.f32 s9, v15;
	[tilespmem:$0x210] =	vst v20  }
0xad: {  	v25 =	vmul.f32 s9, v17;
	[tilespmem:$0x220] =	vst v22  }
0xae: {  	v26 =	vmul.f32 s9, v19;
	[tilespmem:$0x230] =	vst v24  }
0xaf: {  	s25 =	sshll.u32 s1, $0x7;
	s26 =	sshll.u32 s1, $0x4;
	v27 =	vmul.f32 s9, v21;
	[tilespmem:$0x240] =	vst v25  }
0xb0: {  	s10 =	sor.u32 s26, s25;
	v28 =	vmul.f32 s9, v23;
	[tilespmem:$0x250] =	vst v26  }
0xb1: {  	s10 =	sand.u32 $0x470, s10;
	[tilespmem:$0x260] =	vst v27  }
0xb2: {  	s7 =	sadd.s32 s7, s10;
	[tilespmem:$0x270] =	vst v28  }
0xb3: {  	[hbm4b:s7+s14] =	stream.strided.scatter [tilespmem:s8], [sflag:$0x6], $0x100, s15, s14, $0x38;
	[tilespmem:$0x580] =	vst v63  }
0xb4: {  	v29 =	vld [tilespmem:$0x280]  }
0xb5: {  	v30 =	vld [tilespmem:$0x290]  }
0xb6: {  	v31 =	vld [tilespmem:$0x2A0]  }
0xb7: {  	v32 =	vld [tilespmem:$0x2B0]  }
0xb8: {  	v33 =	vld [tilespmem:$0x2C0]  }
0xb9: {  	v34 =	vld [tilespmem:$0x2D0];
	v0 =	vmul.f32 s9, v29  }
0xba: {  	v35 =	vld [tilespmem:$0x2E0];
	v1 =	vmul.f32 s9, v30  }
0xbb: {  	v37 =	vld [tilespmem:$0x2F0];
	v36 =	vmul.f32 s9, v31;
	[tilespmem:$0x280] =	vst v0  }
0xbc: {  	v39 =	vld [tilespmem:$0x300];
	v38 =	vmul.f32 s9, v32;
	[tilespmem:$0x290] =	vst v1  }
0xbd: {  	v41 =	vld [tilespmem:$0x310];
	v40 =	vmul.f32 s9, v33;
	[tilespmem:$0x2A0] =	vst v36  }
0xbe: {  	v43 =	vld [tilespmem:$0x320];
	v42 =	vmul.f32 s9, v34;
	[tilespmem:$0x2B0] =	vst v38  }
0xbf: {  	v45 =	vld [tilespmem:$0x330];
	v44 =	vmul.f32 s9, v35;
	[tilespmem:$0x2C0] =	vst v40  }
0xc0: {  	v47 =	vld [tilespmem:$0x340];
	v46 =	vmul.f32 s9, v37;
	[tilespmem:$0x2D0] =	vst v42  }
0xc1: {  	v49 =	vld [tilespmem:$0x350];
	v48 =	vmul.f32 s9, v39;
	[tilespmem:$0x2E0] =	vst v44  }
0xc2: {  	v51 =	vld [tilespmem:$0x360];
	v50 =	vmul.f32 s9, v41;
	[tilespmem:$0x2F0] =	vst v46  }
0xc3: {  	v53 =	vld [tilespmem:$0x370];
	v52 =	vmul.f32 s9, v43;
	[tilespmem:$0x300] =	vst v48  }
0xc4: {  	v54 =	vmul.f32 s9, v45;
	[tilespmem:$0x310] =	vst v50  }
0xc5: {  	v55 =	vmul.f32 s9, v47;
	[tilespmem:$0x320] =	vst v52  }
0xc6: {  	v56 =	vmul.f32 s9, v49;
	[tilespmem:$0x330] =	vst v54  }
0xc7: {  	v57 =	vmul.f32 s9, v51;
	[tilespmem:$0x340] =	vst v55  }
0xc8: {  	v58 =	vmul.f32 s9, v53;
	[tilespmem:$0x350] =	vst v56  }
0xc9: {  	[tilespmem:$0x360] =	vst v57  }
0xca: {  	s28 =	sadd.s32 $0x100, s7;
	[tilespmem:$0x370] =	vst v58  }
0xcb: {  	[hbm4b:s28+s14] =	stream.strided.scatter [tilespmem:s6], [sflag:$0x6], $0x100, s15, s14, $0x38;
	[tilespmem:$0x580] =	vst v63  }
0xcc: {  	v59 =	vld [tilespmem:$0x380]  }
0xcd: {  	v60 =	vld [tilespmem:$0x390]  }
0xce: {  	v61 =	vld [tilespmem:$0x3A0]  }
0xcf: {  	v62 =	vld [tilespmem:$0x3B0]  }
0xd0: {  	v63 =	vld [tilespmem:$0x3C0]  }
0xd1: {  	v9 =	vld [tilespmem:$0x3D0];
	v0 =	vmul.f32 s9, v59  }
0xd2: {  	v10 =	vld [tilespmem:$0x3E0];
	v1 =	vmul.f32 s9, v60  }
0xd3: {  	v12 =	vld [tilespmem:$0x3F0];
	v11 =	vmul.f32 s9, v61;
	[tilespmem:$0x380] =	vst v0  }
0xd4: {  	v14 =	vld [tilespmem:$0x400];
	v13 =	vmul.f32 s9, v62;
	[tilespmem:$0x390] =	vst v1  }
0xd5: {  	v16 =	vld [tilespmem:$0x410];
	v15 =	vmul.f32 s9, v63;
	[tilespmem:$0x3A0] =	vst v11  }
0xd6: {  	v18 =	vld [tilespmem:$0x420];
	v17 =	vmul.f32 s9, v9;
	[tilespmem:$0x3B0] =	vst v13  }
0xd7: {  	v20 =	vld [tilespmem:$0x430];
	v19 =	vmul.f32 s9, v10;
	[tilespmem:$0x3C0] =	vst v15  }
0xd8: {  	v22 =	vld [tilespmem:$0x440];
	v21 =	vmul.f32 s9, v12;
	[tilespmem:$0x3D0] =	vst v17  }
0xd9: {  	v24 =	vld [tilespmem:$0x450];
	v23 =	vmul.f32 s9, v14;
	[tilespmem:$0x3E0] =	vst v19  }
0xda: {  	v26 =	vld [tilespmem:$0x460];
	v25 =	vmul.f32 s9, v16;
	[tilespmem:$0x3F0] =	vst v21  }
0xdb: {  	v28 =	vld [tilespmem:$0x470];
	v27 =	vmul.f32 s9, v18;
	[tilespmem:$0x400] =	vst v23  }
0xdc: {  	v29 =	vmul.f32 s9, v20;
	[tilespmem:$0x410] =	vst v25  }
0xdd: {  	v30 =	vmul.f32 s9, v22;
	[tilespmem:$0x420] =	vst v27  }
0xde: {  	v31 =	vmul.f32 s9, v24;
	[tilespmem:$0x430] =	vst v29  }
0xdf: {  	v32 =	vmul.f32 s9, v26;
	[tilespmem:$0x440] =	vst v30  }
0xe0: {  	v33 =	vmul.f32 s9, v28;
	[tilespmem:$0x450] =	vst v31  }
0xe1: {  	[tilespmem:$0x460] =	vst v32  }
0xe2: {  	s29 =	sadd.s32 $0x200, s7;
	[tilespmem:$0x470] =	vst v33  }
0xe3: {  	[hbm4b:s29+s14] =	stream.strided.scatter [tilespmem:s16], [sflag:$0x6], $0x100, s15, s14, $0x38;
	[tilespmem:$0x580] =	vst v63  }
0xe4: {  	v34 =	vld [tilespmem:$0x480]  }
0xe5: {  	v35 =	vld [tilespmem:$0x490]  }
0xe6: {  	v36 =	vld [tilespmem:$0x4A0]  }
0xe7: {  	v37 =	vld [tilespmem:$0x4B0]  }
0xe8: {  	v38 =	vld [tilespmem:$0x4C0]  }
0xe9: {  	v39 =	vld [tilespmem:$0x4D0];
	v0 =	vmul.f32 s9, v34  }
0xea: {  	v40 =	vld [tilespmem:$0x4E0];
	v1 =	vmul.f32 s9, v35  }
0xeb: {  	v42 =	vld [tilespmem:$0x4F0];
	v41 =	vmul.f32 s9, v36;
	[tilespmem:$0x480] =	vst v0  }
0xec: {  	v44 =	vld [tilespmem:$0x500];
	v43 =	vmul.f32 s9, v37;
	[tilespmem:$0x490] =	vst v1  }
0xed: {  	v46 =	vld [tilespmem:$0x510];
	v45 =	vmul.f32 s9, v38;
	[tilespmem:$0x4A0] =	vst v41  }
0xee: {  	v48 =	vld [tilespmem:$0x520];
	v47 =	vmul.f32 s9, v39;
	[tilespmem:$0x4B0] =	vst v43  }
0xef: {  	v50 =	vld [tilespmem:$0x530];
	v49 =	vmul.f32 s9, v40;
	[tilespmem:$0x4C0] =	vst v45  }
0xf0: {  	v52 =	vld [tilespmem:$0x540];
	v51 =	vmul.f32 s9, v42;
	[tilespmem:$0x4D0] =	vst v47  }
0xf1: {  	v54 =	vld [tilespmem:$0x550];
	v53 =	vmul.f32 s9, v44;
	[tilespmem:$0x4E0] =	vst v49  }
0xf2: {  	v56 =	vld [tilespmem:$0x560];
	v55 =	vmul.f32 s9, v46;
	[tilespmem:$0x4F0] =	vst v51  }
0xf3: {  	v58 =	vld [tilespmem:$0x570];
	v57 =	vmul.f32 s9, v48;
	[tilespmem:$0x500] =	vst v53  }
0xf4: {  	v59 =	vmul.f32 s9, v50;
	[tilespmem:$0x510] =	vst v55  }
0xf5: {  	v60 =	vmul.f32 s9, v52;
	[tilespmem:$0x520] =	vst v57  }
0xf6: {  	v61 =	vmul.f32 s9, v54;
	[tilespmem:$0x530] =	vst v59  }
0xf7: {  	v62 =	vmul.f32 s9, v56;
	[tilespmem:$0x540] =	vst v60  }
0xf8: {  	v63 =	vmul.f32 s9, v58;
	[tilespmem:$0x550] =	vst v61  }
0xf9: {  	[tilespmem:$0x560] =	vst v62  }
0xfa: {  	s31 =	simm.s32 $0x6;
	s30 =	sadd.s32 $0x300, s7;
	[tilespmem:$0x570] =	vst v63  }
0xfb: {  	[hbm4b:s30+s14] =	stream.strided.scatter [tilespmem:s18], [sflag:$0x6], $0x100, s15, s14, $0x38;
	[tilespmem:$0x580] =	vst v63  }
0xfc: {  	_ =	swait.ge [sflag:s31], $0x100  }
0xfd: {  	[sflag:s31] =	ssyncset.done $0x0  }
0xfe: {  	[sflag:s31] =	ssyncadd.s32 $0xFFFFFF00  }
0xff: {  	_ =	swait.ge [sflag:s31], $0x100  }
0x100: {  	[sflag:s31] =	ssyncset.done $0x0  }
0x101: {  	[sflag:s31] =	ssyncadd.s32 $0xFFFFFF00  }
0x102: {  	_ =	swait.ge [sflag:s31], $0x100  }
0x103: {  	[sflag:s31] =	ssyncset.done $0x0  }
0x104: {  	[sflag:s31] =	ssyncadd.s32 $0xFFFFFF00  }
0x105: {  	_ =	swait.ge [sflag:s31], $0x100  }
0x106: {  	[sflag:s31] =	ssyncset.done $0x0  }
0x107: {  	[sflag:s31] =	ssyncadd.s32 $0xFFFFFF00  }
0x108: {  	_ =	sfence.sel $0x180000  }
0x109: {  	[bflag:$0x0] =	sbarrier.arrive $0xFFFF  }
0x10a: {  	p0 =	sne.s32 s1, $0x0;
	_ =	strace $0x90000047  }
0x10b: {  	s0 =	sadd.s32 @!p0 $0x100000, s0;
	[bflag:$0x2] =	sbarrier.arrive $0xFFFF  }
0x10c: {  	[sflag:s0] =	ssyncadd.tile.s32 @!p0 $0x1;
	_ =	shalt  }
.Lfunc_end2:
_tile_overlayer_lowered:
.L_overlay_start_2:
0x10d: {  	(tag) =	ssettag $0x2  }
0x10e: {  	s0 =	rddreg [dreg:$0x0];
	s2 =	stileid.u32  }
0x10f: {  	s1 =	rddreg [dreg:$0x1];
	p0 =	sne.s32 s2, $0x0  }
0x110: {  	s3 =	rddreg [dreg:$0x2];
	[bflag:$0x3] =	sbarrier.arrive $0xFFFF;
	s2 =	simm.s32 @!p0 $0x1C07  }
0x111: {  	[timem:s3], [sflag:s2] =	dma.local @!p0 [hbm:s0], s1  }
0x112: {  	s0 =	simm.s32 @!p0 $0x7  }
0x113: {  	_ =	swait.ge @!p0 [sflag:s0], s1  }
0x114: {  	s1 =	ssub.s32 @!p0 $0x0, s1;
	[sflag:s0] =	ssyncset.done @!p0 $0x0  }
0x115: {  	[sflag:s0] =	ssyncadd.s32 @!p0 s1  }
0x116: {  	[bflag:$0x3] =	sbarrier.arrive $0xFFFF  }
0x117: {  	_ =	shalt  }

</sc_bundles>
